<compile_context>
chip_gen: v7x
topology: tpu7x:2x2x1
jax: 0.10.2.dev20260603
libtpu: 0.0.44.dev20260713+nightly
codegen_flags: <defaults>
</compile_context>

<pallas_src>
import functools

import jax
import jax.numpy as jnp
from jax import lax
from jax.experimental import pallas as pl
from jax.experimental.pallas import tpu as pltpu
from jax.experimental.pallas import tpu_sc as plsc

N = 10000
D = 128
E = 320000

NCORE = 2
NSUB = 16
NW = NCORE * NSUB
CHUNK = 128
NH = 2
K = 80
KH = K // NH
EPW = K * CHUNK
NACC = NSUB * 640
ROWS_PER_TILE = 640


def _sc_scatter_body(vals_hbm, src_hbm, dst_hbm, zeros_hbm, out_hbm,
                     src_v, dst_v, rows_v, acc_sh, gsem):
    c = lax.axis_index("c")
    s = lax.axis_index("s")
    r0 = s * ROWS_PER_TILE
    pltpu.sync_copy(zeros_hbm.at[pl.ds(r0, ROWS_PER_TILE)],
                    acc_sh.at[pl.ds(r0, ROWS_PER_TILE)])
    plsc.subcore_barrier()

    plsc.subcore_barrier()

    for h in range(NH):
        pltpu.sync_copy(src_hbm.at[c, s, h], src_v)
        pltpu.sync_copy(dst_hbm.at[c, s, h], dst_v)
        pltpu.async_copy(vals_hbm.at[src_v.at[0]], rows_v.at[0], gsem.at[0])

        @pl.loop(0, KH)
        def _(j):
            b = lax.rem(j, 2)
            nb = 1 - b
            jn = lax.rem(j + 1, KH)
            pltpu.async_copy(vals_hbm.at[src_v.at[jn]], rows_v.at[nb],
                             gsem.at[nb])
            pltpu.make_async_copy(vals_hbm.at[src_v.at[j]], rows_v.at[b],
                                  gsem.at[b]).wait()
            pltpu.sync_copy(rows_v.at[b], acc_sh.at[dst_v.at[j]], add=True)

        pltpu.make_async_copy(vals_hbm.at[src_v.at[0]], rows_v.at[0],
                              gsem.at[0]).wait()

    plsc.subcore_barrier()
    pltpu.sync_copy(acc_sh.at[pl.ds(r0, ROWS_PER_TILE)],
                    out_hbm.at[c, pl.ds(r0, ROWS_PER_TILE)])


@functools.cache
def _get_sc_scatter():
    return pl.kernel(
        _sc_scatter_body,
        out_type=jax.ShapeDtypeStruct((NCORE, NACC, D), jnp.float32),
        mesh=plsc.VectorSubcoreMesh(core_axis_name="c", subcore_axis_name="s"),
        scratch_types=[
            pltpu.VMEM((KH, CHUNK), jnp.int32),
            pltpu.VMEM((KH, CHUNK), jnp.int32),
            pltpu.VMEM((2, CHUNK, D), jnp.float32),
            pltpu.VMEM_SHARED((NACC, D), jnp.float32),
            pltpu.SemaphoreType.DMA((2,)),
        ],
    )


def _dotT(a, w):
    return lax.dot_general(a, w, (((1,), (1,)), ((), ())),
                           preferred_element_type=jnp.float32)


def _tc_hneigh_body(x_ref, w_ref, b_ref, o_ref):
    o_ref[...] = _dotT(x_ref[...], w_ref[...]) + b_ref[...]


def _tc_dense_body(xm_ref, wsn_ref, bsn_ref, wsl_ref, bsl_ref,
                   wco_ref, bco_ref, o_ref):
    xm = xm_ref[...]
    hm = _dotT(xm, wsn_ref[...]) + bsn_ref[...]
    zrow = jnp.zeros((1, D), jnp.float32)
    up = jnp.concatenate([hm[1:], zrow], axis=0)
    dn = jnp.concatenate([zrow, hm[:-1]], axis=0)
    row = lax.broadcasted_iota(jnp.int32, (N, 1), 0)
    cnt = jnp.where((row == 0) | (row == N - 1), 1.0, 2.0)
    sarr = (xm + up + dn) / cnt
    wsl = wsl_ref[...]
    h_seq = _dotT(xm, wsl[:, :D]) + _dotT(sarr, wsl[:, D:]) + bsl_ref[...]
    wco = wco_ref[...]
    o_ref[...] = (_dotT(xm, wco[:, D:2 * D]) + _dotT(h_seq, wco[:, 2 * D:])
                  + bco_ref[...])


def _tc_hfinal_body(p_ref, hpre_ref, wco_ref, scale_ref, bias_ref, o_ref):
    hs = p_ref[0, :N, :] + p_ref[1, :N, :]
    h = _dotT(hs, wco_ref[...][:, :D]) + hpre_ref[...]
    o_ref[...] = h * scale_ref[...] + bias_ref[...]


def _tc_sum_body(q_ref, o_ref):
    o_ref[...] = q_ref[0, :N, :] + q_ref[1, :N, :]


def _tc_call(body, out_shape, *args):
    return pl.pallas_call(body, out_shape=out_shape)(*args)


def kernel(x_metrical, x, edge_index, W_neigh, b_neigh, W_conv_out,
           b_conv_out, W_seq_neigh, b_seq_neigh, W_seq_lin, b_seq_lin,
           bn_weight, bn_bias):
    f32 = jnp.float32
    src = edge_index[0]
    dst = edge_index[1]
    pad = NW * EPW - E
    pad_i = jnp.arange(pad, dtype=jnp.int32)
    srcp = jnp.concatenate([src, pad_i % 8])
    dstp = jnp.concatenate([dst, N + pad_i % (NACC - N)])
    src4 = srcp.reshape(NCORE, NSUB, NH, KH, CHUNK)
    dst4 = dstp.reshape(NCORE, NSUB, NH, KH, CHUNK)
    zeros_acc = jnp.zeros((NACC, D), f32)

    out_nd = jax.ShapeDtypeStruct((N, D), f32)

    h_neigh = _tc_call(_tc_hneigh_body, out_nd, x, W_neigh,
                       b_neigh.reshape(1, D))

    h_pre = _tc_call(_tc_dense_body, out_nd, x_metrical, W_seq_neigh,
                     b_seq_neigh.reshape(1, D), W_seq_lin,
                     b_seq_lin.reshape(1, D), W_conv_out,
                     b_conv_out.reshape(1, D))

    sc_scatter = _get_sc_scatter()
    p = sc_scatter(h_neigh, src4, dst4, zeros_acc)

    scale = (bn_weight * (1.0 / jnp.sqrt(1.0 + 1e-5))).reshape(1, D)
    h = _tc_call(_tc_hfinal_body, out_nd, p, h_pre, W_conv_out, scale,
                 bn_bias.reshape(1, D))

    q = sc_scatter(h, src4, dst4, zeros_acc)
    out = _tc_call(_tc_sum_body, out_nd, q)
    return (out, h)

# --- scband reference (transcript-rebuilt; emitter-appended) ---
"""Pipeline reference for scband-metrical-conv-layer-86285892976717 (READ-ONLY COPY).

The authoritative reference and input builder live on the scoring server;
editing this copy changes nothing except your own understanding.
"""

import jax, jax.numpy as jnp
import numpy as np

N = 10000
E = 320000
IN_DIM = 128
OUT_DIM = 128

def _xavier(k, shape, gain=float(np.sqrt(2.0))):
    fan_out, fan_in = shape
    a = gain * np.sqrt(6.0 / (fan_in + fan_out))
    return jax.random.uniform(k, shape, jnp.float32, -a, a)

def setup_inputs(seed: int = 0):
    key = jax.random.key(seed)
    ks = jax.random.split(key, 8)
    return {
        "x_metrical": jax.random.normal(ks[0], (N, IN_DIM), jnp.float32),
        "x": jax.random.normal(ks[1], (N, IN_DIM), jnp.float32),
        "edge_index": jax.random.randint(ks[2], (2, E), 0, N, jnp.int32),
        "W_neigh": _xavier(ks[3], (IN_DIM, IN_DIM)),
        "b_neigh": jnp.zeros((IN_DIM,), jnp.float32),
        "W_conv_out": _xavier(ks[4], (OUT_DIM, 3 * IN_DIM)),
        "b_conv_out": jnp.zeros((OUT_DIM,), jnp.float32),
        "W_seq_neigh": _xavier(ks[5], (IN_DIM, IN_DIM)),
        "b_seq_neigh": jnp.zeros((IN_DIM,), jnp.float32),
        "W_seq_lin": _xavier(ks[6], (IN_DIM, 2 * IN_DIM)),
        "b_seq_lin": jnp.zeros((IN_DIM,), jnp.float32),
        "bn_weight": jnp.ones((OUT_DIM,), jnp.float32),
        "bn_bias": jnp.zeros((OUT_DIM,), jnp.float32),
    }

def reference(x_metrical, x, edge_index, W_neigh, b_neigh, W_conv_out, b_conv_out, W_seq_neigh, b_seq_neigh, W_seq_lin, b_seq_lin, bn_weight, bn_bias):
    M = x_metrical.shape[0]
    Nn = x.shape[0]
    src = edge_index[0]
    dst = edge_index[1]
    # seq_index for lengths=None: chain edges both directions
    a = jnp.arange(0, M - 1)
    b = jnp.arange(1, M)
    seq_src = jnp.concatenate([a, b])
    seq_dst = jnp.concatenate([b, a])
    # h_scatter = scatter_sum(neigh(x)[src] -> dst) into zeros(M, in_dim)
    h_neigh = x @ W_neigh.T + b_neigh
    h_scatter = jnp.zeros((M, IN_DIM), jnp.float32).at[dst].add(h_neigh[src])
    # SageConvScatter(x_metrical, seq_index): scatter_mean with out=features.clone()
    hm = x_metrical @ W_seq_neigh.T + b_seq_neigh
    he = hm[seq_dst]
    sums = x_metrical.at[seq_src].add(he)  # initial out values included in sum (torch_scatter semantics)
    cnt = jnp.zeros((M,), jnp.float32).at[seq_src].add(1.0)
    cnt = jnp.clip(cnt, 1.0, None)
    s = sums / cnt[:, None]
    h_seq = jnp.concatenate([x_metrical, s], axis=-1) @ W_seq_lin.T + b_seq_lin
    # conv_out over concat
    h = jnp.concatenate([h_scatter, x_metrical, h_seq], axis=1) @ W_conv_out.T + b_conv_out
    # activation = identity; BatchNorm1d in eval mode (running_mean=0, running_var=1, eps=1e-5); dropout = identity (eval)
    h = (h / jnp.sqrt(1.0 + 1e-5)) * bn_weight + bn_bias
    # final scatter_sum: gather h at src, scatter-add to dst over N nodes
    out = jnp.zeros((Nn, OUT_DIM), jnp.float32).at[dst].add(h[src])
    return (out, h)

if __name__ == "__main__":
    import jax
    _d = setup_inputs()
    print(jax.jit(kernel)(*tuple(_d.values())))

</pallas_src>

<mosaic_0001>
#map = affine_map<(d0, d1) -> (0, 0)>
#map1 = affine_map<(d0, d1) -> (0, 0, 0, 0, 0)>
#map2 = affine_map<(d0, d1) -> (0, 0, 0)>
module attributes {stable_mosaic.version = 14 : i64} {
  func.func @_sc_scatter_body(%arg0: i32, %arg1: i32, %arg2: memref<10000x128xf32, #tpu.memory_space<hbm>>, %arg3: memref<2x16x2x40x128xi32, #tpu.memory_space<hbm>>, %arg4: memref<2x16x2x40x128xi32, #tpu.memory_space<hbm>>, %arg5: memref<10240x128xf32, #tpu.memory_space<hbm>>, %arg6: memref<2x10240x128xf32, #tpu.memory_space<hbm>>, %arg7: memref<40x128xi32, #tpu.memory_space<vmem>>, %arg8: memref<40x128xi32, #tpu.memory_space<vmem>>, %arg9: memref<2x128x128xf32, #tpu.memory_space<vmem>>, %arg10: memref<10240x128xf32, #tpu.memory_space<vmem_shared>>, %arg11: memref<2x!tpu.dma_semaphore, #tpu.memory_space<semaphore_mem>>) attributes {dimension_semantics = [#tpu.dimension_semantics<core_parallel>, #tpu.dimension_semantics<subcore_parallel>], iteration_bounds = array<i64: 2, 16>, scalar_prefetch = 0 : i64, scratch_operands = 5 : i64, tpu.core_type = #tpu.core_type<sc_vector_subcore>, window_params = [{transform_indices = #map}, {transform_indices = #map1}, {transform_indices = #map1}, {transform_indices = #map}, {transform_indices = #map2}]} {
    %mul3A = arith.constant 640 : i32
    %mul3A_0 = arith.muli %arg1, %mul3A : i32
    "tpu.region"() ({
      %run_scoped3A_73 = tpu.sem_alloc : memref<!tpu.dma_semaphore, #tpu.memory_space<semaphore_mem>>
      %dma_start3A_74 = arith.constant 0 : i32
      %dma_start3A_75 = tpu.memref_slice %arg10[%mul3A_0, %dma_start3A_74] : memref<10240x128xf32, #tpu.memory_space<vmem_shared>> -> memref<640x128xf32, #tpu.memory_space<vmem_shared>>
      %dma_start3A_76 = arith.constant 0 : i32
      %dma_start3A_77 = tpu.memref_slice %arg5[%mul3A_0, %dma_start3A_76] : memref<10240x128xf32, #tpu.memory_space<hbm>> -> memref<640x128xf32, #tpu.memory_space<hbm>>
      tpu.enqueue_dma source(%dma_start3A_77 : memref<640x128xf32, #tpu.memory_space<hbm>>) target(%dma_start3A_75 : memref<640x128xf32, #tpu.memory_space<vmem_shared>>) target_semaphore(%run_scoped3A_73 : memref<!tpu.dma_semaphore, #tpu.memory_space<semaphore_mem>>)
      %dma_wait3A_78 = arith.constant 0 : i32
      %dma_wait3A_79 = tpu.memref_slice %arg10[%mul3A_0, %dma_wait3A_78] : memref<10240x128xf32, #tpu.memory_space<vmem_shared>> -> memref<640x128xf32, #tpu.memory_space<vmem_shared>>
      %dma_wait3A_80 = arith.constant 0 : i32
      %dma_wait3A_81 = tpu.memref_slice %arg5[%mul3A_0, %dma_wait3A_80] : memref<10240x128xf32, #tpu.memory_space<hbm>> -> memref<640x128xf32, #tpu.memory_space<hbm>>
      tpu.wait_dma2 semaphore(%run_scoped3A_73 : memref<!tpu.dma_semaphore, #tpu.memory_space<semaphore_mem>>) src(%dma_wait3A_81 : memref<640x128xf32, #tpu.memory_space<hbm>>) dst(%dma_wait3A_79 : memref<640x128xf32, #tpu.memory_space<vmem_shared>>)
      tpu.yield
    }) : () -> ()
    %barrier3A = arith.constant 0 : index
    tpu.barrier barrier_id(%barrier3A)
    %barrier3A_1 = arith.constant 0 : index
    tpu.barrier barrier_id(%barrier3A_1)
    %run_scoped3A = arith.constant 0 : i32
    "tpu.region"() ({
      %run_scoped3A_73 = tpu.sem_alloc : memref<!tpu.dma_semaphore, #tpu.memory_space<semaphore_mem>>
      %dma_start3A_74 = arith.constant 0 : i32
      %dma_start3A_75 = arith.constant 0 : i32
      %dma_start3A_76 = tpu.memref_slice %arg3[%arg0, %arg1, %run_scoped3A, %dma_start3A_74, %dma_start3A_75] : memref<2x16x2x40x128xi32, #tpu.memory_space<hbm>> -> memref<1x1x1x40x128xi32, #tpu.memory_space<hbm>>
      %dma_start3A_77 = tpu.memref_squeeze %dma_start3A_76 : memref<1x1x1x40x128xi32, #tpu.memory_space<hbm>> -> memref<40x128xi32, #tpu.memory_space<hbm>>
      %dma_start3A_78 = arith.constant 0 : i32
      %dma_start3A_79 = arith.constant 0 : i32
      %dma_start3A_80 = tpu.memref_slice %arg3[%arg0, %arg1, %run_scoped3A, %dma_start3A_78, %dma_start3A_79] : memref<2x16x2x40x128xi32, #tpu.memory_space<hbm>> -> memref<1x1x1x40x128xi32, #tpu.memory_space<hbm>>
      %dma_start3A_81 = tpu.memref_squeeze %dma_start3A_80 : memref<1x1x1x40x128xi32, #tpu.memory_space<hbm>> -> memref<40x128xi32, #tpu.memory_space<hbm>>
      tpu.enqueue_dma source(%dma_start3A_81 : memref<40x128xi32, #tpu.memory_space<hbm>>) target(%arg7 : memref<40x128xi32, #tpu.memory_space<vmem>>) target_semaphore(%run_scoped3A_73 : memref<!tpu.dma_semaphore, #tpu.memory_space<semaphore_mem>>)
      %dma_wait3A_82 = arith.constant 0 : i32
      %dma_wait3A_83 = arith.constant 0 : i32
      %dma_wait3A_84 = tpu.memref_slice %arg3[%arg0, %arg1, %run_scoped3A, %dma_wait3A_82, %dma_wait3A_83] : memref<2x16x2x40x128xi32, #tpu.memory_space<hbm>> -> memref<1x1x1x40x128xi32, #tpu.memory_space<hbm>>
      %dma_wait3A_85 = tpu.memref_squeeze %dma_wait3A_84 : memref<1x1x1x40x128xi32, #tpu.memory_space<hbm>> -> memref<40x128xi32, #tpu.memory_space<hbm>>
      %dma_wait3A_86 = arith.constant 0 : i32
      %dma_wait3A_87 = arith.constant 0 : i32
      %dma_wait3A_88 = tpu.memref_slice %arg3[%arg0, %arg1, %run_scoped3A, %dma_wait3A_86, %dma_wait3A_87] : memref<2x16x2x40x128xi32, #tpu.memory_space<hbm>> -> memref<1x1x1x40x128xi32, #tpu.memory_space<hbm>>
      %dma_wait3A_89 = tpu.memref_squeeze %dma_wait3A_88 : memref<1x1x1x40x128xi32, #tpu.memory_space<hbm>> -> memref<40x128xi32, #tpu.memory_space<hbm>>
      tpu.wait_dma2 semaphore(%run_scoped3A_73 : memref<!tpu.dma_semaphore, #tpu.memory_space<semaphore_mem>>) src(%dma_wait3A_89 : memref<40x128xi32, #tpu.memory_space<hbm>>) dst(%arg7 : memref<40x128xi32, #tpu.memory_space<vmem>>)
      tpu.yield
    }) : () -> ()
    %run_scoped3A_2 = arith.constant 0 : i32
    "tpu.region"() ({
      %run_scoped3A_73 = tpu.sem_alloc : memref<!tpu.dma_semaphore, #tpu.memory_space<semaphore_mem>>
      %dma_start3A_74 = arith.constant 0 : i32
      %dma_start3A_75 = arith.constant 0 : i32
      %dma_start3A_76 = tpu.memref_slice %arg4[%arg0, %arg1, %run_scoped3A_2, %dma_start3A_74, %dma_start3A_75] : memref<2x16x2x40x128xi32, #tpu.memory_space<hbm>> -> memref<1x1x1x40x128xi32, #tpu.memory_space<hbm>>
      %dma_start3A_77 = tpu.memref_squeeze %dma_start3A_76 : memref<1x1x1x40x128xi32, #tpu.memory_space<hbm>> -> memref<40x128xi32, #tpu.memory_space<hbm>>
      %dma_start3A_78 = arith.constant 0 : i32
      %dma_start3A_79 = arith.constant 0 : i32
      %dma_start3A_80 = tpu.memref_slice %arg4[%arg0, %arg1, %run_scoped3A_2, %dma_start3A_78, %dma_start3A_79] : memref<2x16x2x40x128xi32, #tpu.memory_space<hbm>> -> memref<1x1x1x40x128xi32, #tpu.memory_space<hbm>>
      %dma_start3A_81 = tpu.memref_squeeze %dma_start3A_80 : memref<1x1x1x40x128xi32, #tpu.memory_space<hbm>> -> memref<40x128xi32, #tpu.memory_space<hbm>>
      tpu.enqueue_dma source(%dma_start3A_81 : memref<40x128xi32, #tpu.memory_space<hbm>>) target(%arg8 : memref<40x128xi32, #tpu.memory_space<vmem>>) target_semaphore(%run_scoped3A_73 : memref<!tpu.dma_semaphore, #tpu.memory_space<semaphore_mem>>)
      %dma_wait3A_82 = arith.constant 0 : i32
      %dma_wait3A_83 = arith.constant 0 : i32
      %dma_wait3A_84 = tpu.memref_slice %arg4[%arg0, %arg1, %run_scoped3A_2, %dma_wait3A_82, %dma_wait3A_83] : memref<2x16x2x40x128xi32, #tpu.memory_space<hbm>> -> memref<1x1x1x40x128xi32, #tpu.memory_space<hbm>>
      %dma_wait3A_85 = tpu.memref_squeeze %dma_wait3A_84 : memref<1x1x1x40x128xi32, #tpu.memory_space<hbm>> -> memref<40x128xi32, #tpu.memory_space<hbm>>
      %dma_wait3A_86 = arith.constant 0 : i32
      %dma_wait3A_87 = arith.constant 0 : i32
      %dma_wait3A_88 = tpu.memref_slice %arg4[%arg0, %arg1, %run_scoped3A_2, %dma_wait3A_86, %dma_wait3A_87] : memref<2x16x2x40x128xi32, #tpu.memory_space<hbm>> -> memref<1x1x1x40x128xi32, #tpu.memory_space<hbm>>
      %dma_wait3A_89 = tpu.memref_squeeze %dma_wait3A_88 : memref<1x1x1x40x128xi32, #tpu.memory_space<hbm>> -> memref<40x128xi32, #tpu.memory_space<hbm>>
      tpu.wait_dma2 semaphore(%run_scoped3A_73 : memref<!tpu.dma_semaphore, #tpu.memory_space<semaphore_mem>>) src(%dma_wait3A_89 : memref<40x128xi32, #tpu.memory_space<hbm>>) dst(%arg8 : memref<40x128xi32, #tpu.memory_space<vmem>>)
      tpu.yield
    }) : () -> ()
    %dma_start3A = arith.constant 0 : i32
    %dma_start3A_3 = arith.constant 0 : i32
    %dma_start3A_4 = arith.constant 0 : i32
    %dma_start3A_5 = arith.constant 0 : i32
    %dma_start3A_6 = arith.constant 0 : i32
    %dma_start3A_7 = tpu.memref_slice %arg9[%dma_start3A_3, %dma_start3A_5, %dma_start3A_6] : memref<2x128x128xf32, #tpu.memory_space<vmem>> -> memref<1x128x128xf32, #tpu.memory_space<vmem>>
    %dma_start3A_8 = tpu.memref_squeeze %dma_start3A_7 : memref<1x128x128xf32, #tpu.memory_space<vmem>> -> memref<128x128xf32, #tpu.memory_space<vmem>>
    %dma_start3A_9 = arith.constant 0 : i32
    %dma_start3A_10 = tpu.memref_slice %arg7[%dma_start3A, %dma_start3A_9] : memref<40x128xi32, #tpu.memory_space<vmem>> -> memref<1x128xi32, #tpu.memory_space<vmem>>
    %dma_start3A_11 = tpu.memref_squeeze %dma_start3A_10 : memref<1x128xi32, #tpu.memory_space<vmem>> -> memref<128xi32, #tpu.memory_space<vmem>>
    %dma_start3A_12 = arith.constant 0 : i32
    %dma_start3A_13 = arith.constant 0 : i32
    %dma_start3A_14 = tpu.memref_slice %arg2[%dma_start3A_12, %dma_start3A_13] : memref<10000x128xf32, #tpu.memory_space<hbm>> -> memref<10000x128xf32, #tpu.memory_space<hbm>>
    %dma_start3A_15 = tpu.memref_slice %arg11[%dma_start3A_4] : memref<2x!tpu.dma_semaphore, #tpu.memory_space<semaphore_mem>> -> memref<1x!tpu.dma_semaphore, #tpu.memory_space<semaphore_mem>>
    %dma_start3A_16 = tpu.memref_squeeze %dma_start3A_15 : memref<1x!tpu.dma_semaphore, #tpu.memory_space<semaphore_mem>> -> memref<!tpu.dma_semaphore, #tpu.memory_space<semaphore_mem>>
    tpu.enqueue_indirect_dma source(%dma_start3A_14 : memref<10000x128xf32, #tpu.memory_space<hbm>>) target(%dma_start3A_8 : memref<128x128xf32, #tpu.memory_space<vmem>>) offsets(%dma_start3A_11 : memref<128xi32, #tpu.memory_space<vmem>>) semaphore(%dma_start3A_16 : memref<!tpu.dma_semaphore, #tpu.memory_space<semaphore_mem>>)
    %scan3A = arith.constant 0 : i32
    %scan3A_17 = arith.constant 40 : i32
    %scan3A_18 = arith.addi %scan3A, %scan3A_17 : i32
    %scan3A_19 = arith.constant 1 : i32
    scf.for %scan3A_73 = %scan3A to %scan3A_18 step %scan3A_19  : i32 {
      %mul3A_74 = arith.constant 1 : i32
      %mul3A_75 = arith.muli %scan3A_73, %mul3A_74 : i32
      %add3A = arith.constant 0 : i32
      %add3A_76 = arith.addi %add3A, %mul3A_75 : i32
      %rem3A = arith.constant 2 : i32
      %rem3A_77 = arith.remsi %add3A_76, %rem3A : i32
      %sub3A = arith.constant 1 : i32
      %sub3A_78 = arith.subi %sub3A, %rem3A_77 : i32
      %add3A_79 = arith.constant 1 : i32
      %add3A_80 = arith.addi %add3A_76, %add3A_79 : i32
      %rem3A_81 = arith.constant 40 : i32
      %rem3A_82 = arith.remsi %add3A_80, %rem3A_81 : i32
      %dma_start3A_83 = arith.constant 0 : i32
      %dma_start3A_84 = arith.constant 0 : i32
      %dma_start3A_85 = tpu.memref_slice %arg9[%sub3A_78, %dma_start3A_83, %dma_start3A_84] : memref<2x128x128xf32, #tpu.memory_space<vmem>> -> memref<1x128x128xf32, #tpu.memory_space<vmem>>
      %dma_start3A_86 = tpu.memref_squeeze %dma_start3A_85 : memref<1x128x128xf32, #tpu.memory_space<vmem>> -> memref<128x128xf32, #tpu.memory_space<vmem>>
      %dma_start3A_87 = arith.constant 0 : i32
      %dma_start3A_88 = tpu.memref_slice %arg7[%rem3A_82, %dma_start3A_87] : memref<40x128xi32, #tpu.memory_space<vmem>> -> memref<1x128xi32, #tpu.memory_space<vmem>>
      %dma_start3A_89 = tpu.memref_squeeze %dma_start3A_88 : memref<1x128xi32, #tpu.memory_space<vmem>> -> memref<128xi32, #tpu.memory_space<vmem>>
      %dma_start3A_90 = arith.constant 0 : i32
      %dma_start3A_91 = arith.constant 0 : i32
      %dma_start3A_92 = tpu.memref_slice %arg2[%dma_start3A_90, %dma_start3A_91] : memref<10000x128xf32, #tpu.memory_space<hbm>> -> memref<10000x128xf32, #tpu.memory_space<hbm>>
      %dma_start3A_93 = tpu.memref_slice %arg11[%sub3A_78] : memref<2x!tpu.dma_semaphore, #tpu.memory_space<semaphore_mem>> -> memref<1x!tpu.dma_semaphore, #tpu.memory_space<semaphore_mem>>
      %dma_start3A_94 = tpu.memref_squeeze %dma_start3A_93 : memref<1x!tpu.dma_semaphore, #tpu.memory_space<semaphore_mem>> -> memref<!tpu.dma_semaphore, #tpu.memory_space<semaphore_mem>>
      tpu.enqueue_indirect_dma source(%dma_start3A_92 : memref<10000x128xf32, #tpu.memory_space<hbm>>) target(%dma_start3A_86 : memref<128x128xf32, #tpu.memory_space<vmem>>) offsets(%dma_start3A_89 : memref<128xi32, #tpu.memory_space<vmem>>) semaphore(%dma_start3A_94 : memref<!tpu.dma_semaphore, #tpu.memory_space<semaphore_mem>>)
      %dma_wait3A_95 = arith.constant 0 : i32
      %dma_wait3A_96 = arith.constant 0 : i32
      %dma_wait3A_97 = tpu.memref_slice %arg9[%rem3A_77, %dma_wait3A_95, %dma_wait3A_96] : memref<2x128x128xf32, #tpu.memory_space<vmem>> -> memref<1x128x128xf32, #tpu.memory_space<vmem>>
      %dma_wait3A_98 = tpu.memref_squeeze %dma_wait3A_97 : memref<1x128x128xf32, #tpu.memory_space<vmem>> -> memref<128x128xf32, #tpu.memory_space<vmem>>
      %dma_wait3A_99 = arith.constant 0 : i32
      %dma_wait3A_100 = tpu.memref_slice %arg7[%add3A_76, %dma_wait3A_99] : memref<40x128xi32, #tpu.memory_space<vmem>> -> memref<1x128xi32, #tpu.memory_space<vmem>>
      %dma_wait3A_101 = tpu.memref_squeeze %dma_wait3A_100 : memref<1x128xi32, #tpu.memory_space<vmem>> -> memref<128xi32, #tpu.memory_space<vmem>>
      %dma_wait3A_102 = arith.constant 0 : i32
      %dma_wait3A_103 = arith.constant 0 : i32
      %dma_wait3A_104 = tpu.memref_slice %arg2[%dma_wait3A_102, %dma_wait3A_103] : memref<10000x128xf32, #tpu.memory_space<hbm>> -> memref<10000x128xf32, #tpu.memory_space<hbm>>
      %dma_wait3A_105 = tpu.memref_slice %arg11[%rem3A_77] : memref<2x!tpu.dma_semaphore, #tpu.memory_space<semaphore_mem>> -> memref<1x!tpu.dma_semaphore, #tpu.memory_space<semaphore_mem>>
      %dma_wait3A_106 = tpu.memref_squeeze %dma_wait3A_105 : memref<1x!tpu.dma_semaphore, #tpu.memory_space<semaphore_mem>> -> memref<!tpu.dma_semaphore, #tpu.memory_space<semaphore_mem>>
      tpu.wait_indirect_dma semaphore(%dma_wait3A_106 : memref<!tpu.dma_semaphore, #tpu.memory_space<semaphore_mem>>) src(%dma_wait3A_104 : memref<10000x128xf32, #tpu.memory_space<hbm>>) dst(%dma_wait3A_98 : memref<128x128xf32, #tpu.memory_space<vmem>>)
      "tpu.region"() ({
        %run_scoped3A_107 = tpu.sem_alloc : memref<!tpu.dma_semaphore, #tpu.memory_space<semaphore_mem>>
        %dma_start3A_108 = arith.constant 0 : i32
        %dma_start3A_109 = arith.constant 0 : i32
        %dma_start3A_110 = tpu.memref_slice %arg9[%rem3A_77, %dma_start3A_108, %dma_start3A_109] : memref<2x128x128xf32, #tpu.memory_space<vmem>> -> memref<1x128x128xf32, #tpu.memory_space<vmem>>
        %dma_start3A_111 = tpu.memref_squeeze %dma_start3A_110 : memref<1x128x128xf32, #tpu.memory_space<vmem>> -> memref<128x128xf32, #tpu.memory_space<vmem>>
        %dma_start3A_112 = arith.constant 0 : i32
        %dma_start3A_113 = tpu.memref_slice %arg8[%add3A_76, %dma_start3A_112] : memref<40x128xi32, #tpu.memory_space<vmem>> -> memref<1x128xi32, #tpu.memory_space<vmem>>
        %dma_start3A_114 = tpu.memref_squeeze %dma_start3A_113 : memref<1x128xi32, #tpu.memory_space<vmem>> -> memref<128xi32, #tpu.memory_space<vmem>>
        %dma_start3A_115 = arith.constant 0 : i32
        %dma_start3A_116 = arith.constant 0 : i32
        %dma_start3A_117 = tpu.memref_slice %arg10[%dma_start3A_115, %dma_start3A_116] : memref<10240x128xf32, #tpu.memory_space<vmem_shared>> -> memref<10240x128xf32, #tpu.memory_space<vmem_shared>>
        tpu.enqueue_indirect_dma source(%dma_start3A_111 : memref<128x128xf32, #tpu.memory_space<vmem>>) target(%dma_start3A_117 : memref<10240x128xf32, #tpu.memory_space<vmem_shared>>) offsets(%dma_start3A_114 : memref<128xi32, #tpu.memory_space<vmem>>) semaphore(%run_scoped3A_107 : memref<!tpu.dma_semaphore, #tpu.memory_space<semaphore_mem>>) {add = true}
        %dma_wait3A_118 = arith.constant 0 : i32
        %dma_wait3A_119 = arith.constant 0 : i32
        %dma_wait3A_120 = tpu.memref_slice %arg9[%rem3A_77, %dma_wait3A_118, %dma_wait3A_119] : memref<2x128x128xf32, #tpu.memory_space<vmem>> -> memref<1x128x128xf32, #tpu.memory_space<vmem>>
        %dma_wait3A_121 = tpu.memref_squeeze %dma_wait3A_120 : memref<1x128x128xf32, #tpu.memory_space<vmem>> -> memref<128x128xf32, #tpu.memory_space<vmem>>
        %dma_wait3A_122 = arith.constant 0 : i32
        %dma_wait3A_123 = tpu.memref_slice %arg8[%add3A_76, %dma_wait3A_122] : memref<40x128xi32, #tpu.memory_space<vmem>> -> memref<1x128xi32, #tpu.memory_space<vmem>>
        %dma_wait3A_124 = tpu.memref_squeeze %dma_wait3A_123 : memref<1x128xi32, #tpu.memory_space<vmem>> -> memref<128xi32, #tpu.memory_space<vmem>>
        %dma_wait3A_125 = arith.constant 0 : i32
        %dma_wait3A_126 = arith.constant 0 : i32
        %dma_wait3A_127 = tpu.memref_slice %arg10[%dma_wait3A_125, %dma_wait3A_126] : memref<10240x128xf32, #tpu.memory_space<vmem_shared>> -> memref<10240x128xf32, #tpu.memory_space<vmem_shared>>
        tpu.wait_indirect_dma semaphore(%run_scoped3A_107 : memref<!tpu.dma_semaphore, #tpu.memory_space<semaphore_mem>>) src(%dma_wait3A_121 : memref<128x128xf32, #tpu.memory_space<vmem>>) dst(%dma_wait3A_127 : memref<10240x128xf32, #tpu.memory_space<vmem_shared>>)
        tpu.yield
      }) : () -> ()
    }
    %scan3A_20 = arith.constant 40 : i32
    %dma_wait3A = arith.constant 0 : i32
    %dma_wait3A_21 = arith.constant 0 : i32
    %dma_wait3A_22 = arith.constant 0 : i32
    %dma_wait3A_23 = arith.constant 0 : i32
    %dma_wait3A_24 = arith.constant 0 : i32
    %dma_wait3A_25 = tpu.memref_slice %arg9[%dma_wait3A_21, %dma_wait3A_23, %dma_wait3A_24] : memref<2x128x128xf32, #tpu.memory_space<vmem>> -> memref<1x128x128xf32, #tpu.memory_space<vmem>>
    %dma_wait3A_26 = tpu.memref_squeeze %dma_wait3A_25 : memref<1x128x128xf32, #tpu.memory_space<vmem>> -> memref<128x128xf32, #tpu.memory_space<vmem>>
    %dma_wait3A_27 = arith.constant 0 : i32
    %dma_wait3A_28 = tpu.memref_slice %arg7[%dma_wait3A, %dma_wait3A_27] : memref<40x128xi32, #tpu.memory_space<vmem>> -> memref<1x128xi32, #tpu.memory_space<vmem>>
    %dma_wait3A_29 = tpu.memref_squeeze %dma_wait3A_28 : memref<1x128xi32, #tpu.memory_space<vmem>> -> memref<128xi32, #tpu.memory_space<vmem>>
    %dma_wait3A_30 = arith.constant 0 : i32
    %dma_wait3A_31 = arith.constant 0 : i32
    %dma_wait3A_32 = tpu.memref_slice %arg2[%dma_wait3A_30, %dma_wait3A_31] : memref<10000x128xf32, #tpu.memory_space<hbm>> -> memref<10000x128xf32, #tpu.memory_space<hbm>>
    %dma_wait3A_33 = tpu.memref_slice %arg11[%dma_wait3A_22] : memref<2x!tpu.dma_semaphore, #tpu.memory_space<semaphore_mem>> -> memref<1x!tpu.dma_semaphore, #tpu.memory_space<semaphore_mem>>
    %dma_wait3A_34 = tpu.memref_squeeze %dma_wait3A_33 : memref<1x!tpu.dma_semaphore, #tpu.memory_space<semaphore_mem>> -> memref<!tpu.dma_semaphore, #tpu.memory_space<semaphore_mem>>
    tpu.wait_indirect_dma semaphore(%dma_wait3A_34 : memref<!tpu.dma_semaphore, #tpu.memory_space<semaphore_mem>>) src(%dma_wait3A_32 : memref<10000x128xf32, #tpu.memory_space<hbm>>) dst(%dma_wait3A_26 : memref<128x128xf32, #tpu.memory_space<vmem>>)
    %run_scoped3A_35 = arith.constant 1 : i32
    "tpu.region"() ({
      %run_scoped3A_73 = tpu.sem_alloc : memref<!tpu.dma_semaphore, #tpu.memory_space<semaphore_mem>>
      %dma_start3A_74 = arith.constant 0 : i32
      %dma_start3A_75 = arith.constant 0 : i32
      %dma_start3A_76 = tpu.memref_slice %arg3[%arg0, %arg1, %run_scoped3A_35, %dma_start3A_74, %dma_start3A_75] : memref<2x16x2x40x128xi32, #tpu.memory_space<hbm>> -> memref<1x1x1x40x128xi32, #tpu.memory_space<hbm>>
      %dma_start3A_77 = tpu.memref_squeeze %dma_start3A_76 : memref<1x1x1x40x128xi32, #tpu.memory_space<hbm>> -> memref<40x128xi32, #tpu.memory_space<hbm>>
      %dma_start3A_78 = arith.constant 0 : i32
      %dma_start3A_79 = arith.constant 0 : i32
      %dma_start3A_80 = tpu.memref_slice %arg3[%arg0, %arg1, %run_scoped3A_35, %dma_start3A_78, %dma_start3A_79] : memref<2x16x2x40x128xi32, #tpu.memory_space<hbm>> -> memref<1x1x1x40x128xi32, #tpu.memory_space<hbm>>
      %dma_start3A_81 = tpu.memref_squeeze %dma_start3A_80 : memref<1x1x1x40x128xi32, #tpu.memory_space<hbm>> -> memref<40x128xi32, #tpu.memory_space<hbm>>
      tpu.enqueue_dma source(%dma_start3A_81 : memref<40x128xi32, #tpu.memory_space<hbm>>) target(%arg7 : memref<40x128xi32, #tpu.memory_space<vmem>>) target_semaphore(%run_scoped3A_73 : memref<!tpu.dma_semaphore, #tpu.memory_space<semaphore_mem>>)
      %dma_wait3A_82 = arith.constant 0 : i32
      %dma_wait3A_83 = arith.constant 0 : i32
      %dma_wait3A_84 = tpu.memref_slice %arg3[%arg0, %arg1, %run_scoped3A_35, %dma_wait3A_82, %dma_wait3A_83] : memref<2x16x2x40x128xi32, #tpu.memory_space<hbm>> -> memref<1x1x1x40x128xi32, #tpu.memory_space<hbm>>
      %dma_wait3A_85 = tpu.memref_squeeze %dma_wait3A_84 : memref<1x1x1x40x128xi32, #tpu.memory_space<hbm>> -> memref<40x128xi32, #tpu.memory_space<hbm>>
      %dma_wait3A_86 = arith.constant 0 : i32
      %dma_wait3A_87 = arith.constant 0 : i32
      %dma_wait3A_88 = tpu.memref_slice %arg3[%arg0, %arg1, %run_scoped3A_35, %dma_wait3A_86, %dma_wait3A_87] : memref<2x16x2x40x128xi32, #tpu.memory_space<hbm>> -> memref<1x1x1x40x128xi32, #tpu.memory_space<hbm>>
      %dma_wait3A_89 = tpu.memref_squeeze %dma_wait3A_88 : memref<1x1x1x40x128xi32, #tpu.memory_space<hbm>> -> memref<40x128xi32, #tpu.memory_space<hbm>>
      tpu.wait_dma2 semaphore(%run_scoped3A_73 : memref<!tpu.dma_semaphore, #tpu.memory_space<semaphore_mem>>) src(%dma_wait3A_89 : memref<40x128xi32, #tpu.memory_space<hbm>>) dst(%arg7 : memref<40x128xi32, #tpu.memory_space<vmem>>)
      tpu.yield
    }) : () -> ()
    %run_scoped3A_36 = arith.constant 1 : i32
    "tpu.region"() ({
      %run_scoped3A_73 = tpu.sem_alloc : memref<!tpu.dma_semaphore, #tpu.memory_space<semaphore_mem>>
      %dma_start3A_74 = arith.constant 0 : i32
      %dma_start3A_75 = arith.constant 0 : i32
      %dma_start3A_76 = tpu.memref_slice %arg4[%arg0, %arg1, %run_scoped3A_36, %dma_start3A_74, %dma_start3A_75] : memref<2x16x2x40x128xi32, #tpu.memory_space<hbm>> -> memref<1x1x1x40x128xi32, #tpu.memory_space<hbm>>
      %dma_start3A_77 = tpu.memref_squeeze %dma_start3A_76 : memref<1x1x1x40x128xi32, #tpu.memory_space<hbm>> -> memref<40x128xi32, #tpu.memory_space<hbm>>
      %dma_start3A_78 = arith.constant 0 : i32
      %dma_start3A_79 = arith.constant 0 : i32
      %dma_start3A_80 = tpu.memref_slice %arg4[%arg0, %arg1, %run_scoped3A_36, %dma_start3A_78, %dma_start3A_79] : memref<2x16x2x40x128xi32, #tpu.memory_space<hbm>> -> memref<1x1x1x40x128xi32, #tpu.memory_space<hbm>>
      %dma_start3A_81 = tpu.memref_squeeze %dma_start3A_80 : memref<1x1x1x40x128xi32, #tpu.memory_space<hbm>> -> memref<40x128xi32, #tpu.memory_space<hbm>>
      tpu.enqueue_dma source(%dma_start3A_81 : memref<40x128xi32, #tpu.memory_space<hbm>>) target(%arg8 : memref<40x128xi32, #tpu.memory_space<vmem>>) target_semaphore(%run_scoped3A_73 : memref<!tpu.dma_semaphore, #tpu.memory_space<semaphore_mem>>)
      %dma_wait3A_82 = arith.constant 0 : i32
      %dma_wait3A_83 = arith.constant 0 : i32
      %dma_wait3A_84 = tpu.memref_slice %arg4[%arg0, %arg1, %run_scoped3A_36, %dma_wait3A_82, %dma_wait3A_83] : memref<2x16x2x40x128xi32, #tpu.memory_space<hbm>> -> memref<1x1x1x40x128xi32, #tpu.memory_space<hbm>>
      %dma_wait3A_85 = tpu.memref_squeeze %dma_wait3A_84 : memref<1x1x1x40x128xi32, #tpu.memory_space<hbm>> -> memref<40x128xi32, #tpu.memory_space<hbm>>
      %dma_wait3A_86 = arith.constant 0 : i32
      %dma_wait3A_87 = arith.constant 0 : i32
      %dma_wait3A_88 = tpu.memref_slice %arg4[%arg0, %arg1, %run_scoped3A_36, %dma_wait3A_86, %dma_wait3A_87] : memref<2x16x2x40x128xi32, #tpu.memory_space<hbm>> -> memref<1x1x1x40x128xi32, #tpu.memory_space<hbm>>
      %dma_wait3A_89 = tpu.memref_squeeze %dma_wait3A_88 : memref<1x1x1x40x128xi32, #tpu.memory_space<hbm>> -> memref<40x128xi32, #tpu.memory_space<hbm>>
      tpu.wait_dma2 semaphore(%run_scoped3A_73 : memref<!tpu.dma_semaphore, #tpu.memory_space<semaphore_mem>>) src(%dma_wait3A_89 : memref<40x128xi32, #tpu.memory_space<hbm>>) dst(%arg8 : memref<40x128xi32, #tpu.memory_space<vmem>>)
      tpu.yield
    }) : () -> ()
    %dma_start3A_37 = arith.constant 0 : i32
    %dma_start3A_38 = arith.constant 0 : i32
    %dma_start3A_39 = arith.constant 0 : i32
    %dma_start3A_40 = arith.constant 0 : i32
    %dma_start3A_41 = arith.constant 0 : i32
    %dma_start3A_42 = tpu.memref_slice %arg9[%dma_start3A_38, %dma_start3A_40, %dma_start3A_41] : memref<2x128x128xf32, #tpu.memory_space<vmem>> -> memref<1x128x128xf32, #tpu.memory_space<vmem>>
    %dma_start3A_43 = tpu.memref_squeeze %dma_start3A_42 : memref<1x128x128xf32, #tpu.memory_space<vmem>> -> memref<128x128xf32, #tpu.memory_space<vmem>>
    %dma_start3A_44 = arith.constant 0 : i32
    %dma_start3A_45 = tpu.memref_slice %arg7[%dma_start3A_37, %dma_start3A_44] : memref<40x128xi32, #tpu.memory_space<vmem>> -> memref<1x128xi32, #tpu.memory_space<vmem>>
    %dma_start3A_46 = tpu.memref_squeeze %dma_start3A_45 : memref<1x128xi32, #tpu.memory_space<vmem>> -> memref<128xi32, #tpu.memory_space<vmem>>
    %dma_start3A_47 = arith.constant 0 : i32
    %dma_start3A_48 = arith.constant 0 : i32
    %dma_start3A_49 = tpu.memref_slice %arg2[%dma_start3A_47, %dma_start3A_48] : memref<10000x128xf32, #tpu.memory_space<hbm>> -> memref<10000x128xf32, #tpu.memory_space<hbm>>
    %dma_start3A_50 = tpu.memref_slice %arg11[%dma_start3A_39] : memref<2x!tpu.dma_semaphore, #tpu.memory_space<semaphore_mem>> -> memref<1x!tpu.dma_semaphore, #tpu.memory_space<semaphore_mem>>
    %dma_start3A_51 = tpu.memref_squeeze %dma_start3A_50 : memref<1x!tpu.dma_semaphore, #tpu.memory_space<semaphore_mem>> -> memref<!tpu.dma_semaphore, #tpu.memory_space<semaphore_mem>>
    tpu.enqueue_indirect_dma source(%dma_start3A_49 : memref<10000x128xf32, #tpu.memory_space<hbm>>) target(%dma_start3A_43 : memref<128x128xf32, #tpu.memory_space<vmem>>) offsets(%dma_start3A_46 : memref<128xi32, #tpu.memory_space<vmem>>) semaphore(%dma_start3A_51 : memref<!tpu.dma_semaphore, #tpu.memory_space<semaphore_mem>>)
    %scan3A_52 = arith.constant 0 : i32
    %scan3A_53 = arith.constant 40 : i32
    %scan3A_54 = arith.addi %scan3A_52, %scan3A_53 : i32
    %scan3A_55 = arith.constant 1 : i32
    scf.for %scan3A_73 = %scan3A_52 to %scan3A_54 step %scan3A_55  : i32 {
      %mul3A_74 = arith.constant 1 : i32
      %mul3A_75 = arith.muli %scan3A_73, %mul3A_74 : i32
      %add3A = arith.constant 0 : i32
      %add3A_76 = arith.addi %add3A, %mul3A_75 : i32
      %rem3A = arith.constant 2 : i32
      %rem3A_77 = arith.remsi %add3A_76, %rem3A : i32
      %sub3A = arith.constant 1 : i32
      %sub3A_78 = arith.subi %sub3A, %rem3A_77 : i32
      %add3A_79 = arith.constant 1 : i32
      %add3A_80 = arith.addi %add3A_76, %add3A_79 : i32
      %rem3A_81 = arith.constant 40 : i32
      %rem3A_82 = arith.remsi %add3A_80, %rem3A_81 : i32
      %dma_start3A_83 = arith.constant 0 : i32
      %dma_start3A_84 = arith.constant 0 : i32
      %dma_start3A_85 = tpu.memref_slice %arg9[%sub3A_78, %dma_start3A_83, %dma_start3A_84] : memref<2x128x128xf32, #tpu.memory_space<vmem>> -> memref<1x128x128xf32, #tpu.memory_space<vmem>>
      %dma_start3A_86 = tpu.memref_squeeze %dma_start3A_85 : memref<1x128x128xf32, #tpu.memory_space<vmem>> -> memref<128x128xf32, #tpu.memory_space<vmem>>
      %dma_start3A_87 = arith.constant 0 : i32
      %dma_start3A_88 = tpu.memref_slice %arg7[%rem3A_82, %dma_start3A_87] : memref<40x128xi32, #tpu.memory_space<vmem>> -> memref<1x128xi32, #tpu.memory_space<vmem>>
      %dma_start3A_89 = tpu.memref_squeeze %dma_start3A_88 : memref<1x128xi32, #tpu.memory_space<vmem>> -> memref<128xi32, #tpu.memory_space<vmem>>
      %dma_start3A_90 = arith.constant 0 : i32
      %dma_start3A_91 = arith.constant 0 : i32
      %dma_start3A_92 = tpu.memref_slice %arg2[%dma_start3A_90, %dma_start3A_91] : memref<10000x128xf32, #tpu.memory_space<hbm>> -> memref<10000x128xf32, #tpu.memory_space<hbm>>
      %dma_start3A_93 = tpu.memref_slice %arg11[%sub3A_78] : memref<2x!tpu.dma_semaphore, #tpu.memory_space<semaphore_mem>> -> memref<1x!tpu.dma_semaphore, #tpu.memory_space<semaphore_mem>>
      %dma_start3A_94 = tpu.memref_squeeze %dma_start3A_93 : memref<1x!tpu.dma_semaphore, #tpu.memory_space<semaphore_mem>> -> memref<!tpu.dma_semaphore, #tpu.memory_space<semaphore_mem>>
      tpu.enqueue_indirect_dma source(%dma_start3A_92 : memref<10000x128xf32, #tpu.memory_space<hbm>>) target(%dma_start3A_86 : memref<128x128xf32, #tpu.memory_space<vmem>>) offsets(%dma_start3A_89 : memref<128xi32, #tpu.memory_space<vmem>>) semaphore(%dma_start3A_94 : memref<!tpu.dma_semaphore, #tpu.memory_space<semaphore_mem>>)
      %dma_wait3A_95 = arith.constant 0 : i32
      %dma_wait3A_96 = arith.constant 0 : i32
      %dma_wait3A_97 = tpu.memref_slice %arg9[%rem3A_77, %dma_wait3A_95, %dma_wait3A_96] : memref<2x128x128xf32, #tpu.memory_space<vmem>> -> memref<1x128x128xf32, #tpu.memory_space<vmem>>
      %dma_wait3A_98 = tpu.memref_squeeze %dma_wait3A_97 : memref<1x128x128xf32, #tpu.memory_space<vmem>> -> memref<128x128xf32, #tpu.memory_space<vmem>>
      %dma_wait3A_99 = arith.constant 0 : i32
      %dma_wait3A_100 = tpu.memref_slice %arg7[%add3A_76, %dma_wait3A_99] : memref<40x128xi32, #tpu.memory_space<vmem>> -> memref<1x128xi32, #tpu.memory_space<vmem>>
      %dma_wait3A_101 = tpu.memref_squeeze %dma_wait3A_100 : memref<1x128xi32, #tpu.memory_space<vmem>> -> memref<128xi32, #tpu.memory_space<vmem>>
      %dma_wait3A_102 = arith.constant 0 : i32
      %dma_wait3A_103 = arith.constant 0 : i32
      %dma_wait3A_104 = tpu.memref_slice %arg2[%dma_wait3A_102, %dma_wait3A_103] : memref<10000x128xf32, #tpu.memory_space<hbm>> -> memref<10000x128xf32, #tpu.memory_space<hbm>>
      %dma_wait3A_105 = tpu.memref_slice %arg11[%rem3A_77] : memref<2x!tpu.dma_semaphore, #tpu.memory_space<semaphore_mem>> -> memref<1x!tpu.dma_semaphore, #tpu.memory_space<semaphore_mem>>
      %dma_wait3A_106 = tpu.memref_squeeze %dma_wait3A_105 : memref<1x!tpu.dma_semaphore, #tpu.memory_space<semaphore_mem>> -> memref<!tpu.dma_semaphore, #tpu.memory_space<semaphore_mem>>
      tpu.wait_indirect_dma semaphore(%dma_wait3A_106 : memref<!tpu.dma_semaphore, #tpu.memory_space<semaphore_mem>>) src(%dma_wait3A_104 : memref<10000x128xf32, #tpu.memory_space<hbm>>) dst(%dma_wait3A_98 : memref<128x128xf32, #tpu.memory_space<vmem>>)
      "tpu.region"() ({
        %run_scoped3A_107 = tpu.sem_alloc : memref<!tpu.dma_semaphore, #tpu.memory_space<semaphore_mem>>
        %dma_start3A_108 = arith.constant 0 : i32
        %dma_start3A_109 = arith.constant 0 : i32
        %dma_start3A_110 = tpu.memref_slice %arg9[%rem3A_77, %dma_start3A_108, %dma_start3A_109] : memref<2x128x128xf32, #tpu.memory_space<vmem>> -> memref<1x128x128xf32, #tpu.memory_space<vmem>>
        %dma_start3A_111 = tpu.memref_squeeze %dma_start3A_110 : memref<1x128x128xf32, #tpu.memory_space<vmem>> -> memref<128x128xf32, #tpu.memory_space<vmem>>
        %dma_start3A_112 = arith.constant 0 : i32
        %dma_start3A_113 = tpu.memref_slice %arg8[%add3A_76, %dma_start3A_112] : memref<40x128xi32, #tpu.memory_space<vmem>> -> memref<1x128xi32, #tpu.memory_space<vmem>>
        %dma_start3A_114 = tpu.memref_squeeze %dma_start3A_113 : memref<1x128xi32, #tpu.memory_space<vmem>> -> memref<128xi32, #tpu.memory_space<vmem>>
        %dma_start3A_115 = arith.constant 0 : i32
        %dma_start3A_116 = arith.constant 0 : i32
        %dma_start3A_117 = tpu.memref_slice %arg10[%dma_start3A_115, %dma_start3A_116] : memref<10240x128xf32, #tpu.memory_space<vmem_shared>> -> memref<10240x128xf32, #tpu.memory_space<vmem_shared>>
        tpu.enqueue_indirect_dma source(%dma_start3A_111 : memref<128x128xf32, #tpu.memory_space<vmem>>) target(%dma_start3A_117 : memref<10240x128xf32, #tpu.memory_space<vmem_shared>>) offsets(%dma_start3A_114 : memref<128xi32, #tpu.memory_space<vmem>>) semaphore(%run_scoped3A_107 : memref<!tpu.dma_semaphore, #tpu.memory_space<semaphore_mem>>) {add = true}
        %dma_wait3A_118 = arith.constant 0 : i32
        %dma_wait3A_119 = arith.constant 0 : i32
        %dma_wait3A_120 = tpu.memref_slice %arg9[%rem3A_77, %dma_wait3A_118, %dma_wait3A_119] : memref<2x128x128xf32, #tpu.memory_space<vmem>> -> memref<1x128x128xf32, #tpu.memory_space<vmem>>
        %dma_wait3A_121 = tpu.memref_squeeze %dma_wait3A_120 : memref<1x128x128xf32, #tpu.memory_space<vmem>> -> memref<128x128xf32, #tpu.memory_space<vmem>>
        %dma_wait3A_122 = arith.constant 0 : i32
        %dma_wait3A_123 = tpu.memref_slice %arg8[%add3A_76, %dma_wait3A_122] : memref<40x128xi32, #tpu.memory_space<vmem>> -> memref<1x128xi32, #tpu.memory_space<vmem>>
        %dma_wait3A_124 = tpu.memref_squeeze %dma_wait3A_123 : memref<1x128xi32, #tpu.memory_space<vmem>> -> memref<128xi32, #tpu.memory_space<vmem>>
        %dma_wait3A_125 = arith.constant 0 : i32
        %dma_wait3A_126 = arith.constant 0 : i32
        %dma_wait3A_127 = tpu.memref_slice %arg10[%dma_wait3A_125, %dma_wait3A_126] : memref<10240x128xf32, #tpu.memory_space<vmem_shared>> -> memref<10240x128xf32, #tpu.memory_space<vmem_shared>>
        tpu.wait_indirect_dma semaphore(%run_scoped3A_107 : memref<!tpu.dma_semaphore, #tpu.memory_space<semaphore_mem>>) src(%dma_wait3A_121 : memref<128x128xf32, #tpu.memory_space<vmem>>) dst(%dma_wait3A_127 : memref<10240x128xf32, #tpu.memory_space<vmem_shared>>)
        tpu.yield
      }) : () -> ()
    }
    %scan3A_56 = arith.constant 40 : i32
    %dma_wait3A_57 = arith.constant 0 : i32
    %dma_wait3A_58 = arith.constant 0 : i32
    %dma_wait3A_59 = arith.constant 0 : i32
    %dma_wait3A_60 = arith.constant 0 : i32
    %dma_wait3A_61 = arith.constant 0 : i32
    %dma_wait3A_62 = tpu.memref_slice %arg9[%dma_wait3A_58, %dma_wait3A_60, %dma_wait3A_61] : memref<2x128x128xf32, #tpu.memory_space<vmem>> -> memref<1x128x128xf32, #tpu.memory_space<vmem>>
    %dma_wait3A_63 = tpu.memref_squeeze %dma_wait3A_62 : memref<1x128x128xf32, #tpu.memory_space<vmem>> -> memref<128x128xf32, #tpu.memory_space<vmem>>
    %dma_wait3A_64 = arith.constant 0 : i32
    %dma_wait3A_65 = tpu.memref_slice %arg7[%dma_wait3A_57, %dma_wait3A_64] : memref<40x128xi32, #tpu.memory_space<vmem>> -> memref<1x128xi32, #tpu.memory_space<vmem>>
    %dma_wait3A_66 = tpu.memref_squeeze %dma_wait3A_65 : memref<1x128xi32, #tpu.memory_space<vmem>> -> memref<128xi32, #tpu.memory_space<vmem>>
    %dma_wait3A_67 = arith.constant 0 : i32
    %dma_wait3A_68 = arith.constant 0 : i32
    %dma_wait3A_69 = tpu.memref_slice %arg2[%dma_wait3A_67, %dma_wait3A_68] : memref<10000x128xf32, #tpu.memory_space<hbm>> -> memref<10000x128xf32, #tpu.memory_space<hbm>>
    %dma_wait3A_70 = tpu.memref_slice %arg11[%dma_wait3A_59] : memref<2x!tpu.dma_semaphore, #tpu.memory_space<semaphore_mem>> -> memref<1x!tpu.dma_semaphore, #tpu.memory_space<semaphore_mem>>
    %dma_wait3A_71 = tpu.memref_squeeze %dma_wait3A_70 : memref<1x!tpu.dma_semaphore, #tpu.memory_space<semaphore_mem>> -> memref<!tpu.dma_semaphore, #tpu.memory_space<semaphore_mem>>
    tpu.wait_indirect_dma semaphore(%dma_wait3A_71 : memref<!tpu.dma_semaphore, #tpu.memory_space<semaphore_mem>>) src(%dma_wait3A_69 : memref<10000x128xf32, #tpu.memory_space<hbm>>) dst(%dma_wait3A_63 : memref<128x128xf32, #tpu.memory_space<vmem>>)
    %barrier3A_72 = arith.constant 0 : index
    tpu.barrier barrier_id(%barrier3A_72)
    "tpu.region"() ({
      %run_scoped3A_73 = tpu.sem_alloc : memref<!tpu.dma_semaphore, #tpu.memory_space<semaphore_mem>>
      %dma_start3A_74 = arith.constant 0 : i32
      %dma_start3A_75 = tpu.memref_slice %arg6[%arg0, %mul3A_0, %dma_start3A_74] : memref<2x10240x128xf32, #tpu.memory_space<hbm>> -> memref<1x640x128xf32, #tpu.memory_space<hbm>>
      %dma_start3A_76 = tpu.memref_squeeze %dma_start3A_75 : memref<1x640x128xf32, #tpu.memory_space<hbm>> -> memref<640x128xf32, #tpu.memory_space<hbm>>
      %dma_start3A_77 = arith.constant 0 : i32
      %dma_start3A_78 = tpu.memref_slice %arg10[%mul3A_0, %dma_start3A_77] : memref<10240x128xf32, #tpu.memory_space<vmem_shared>> -> memref<640x128xf32, #tpu.memory_space<vmem_shared>>
      tpu.enqueue_dma source(%dma_start3A_78 : memref<640x128xf32, #tpu.memory_space<vmem_shared>>) target(%dma_start3A_76 : memref<640x128xf32, #tpu.memory_space<hbm>>) target_semaphore(%run_scoped3A_73 : memref<!tpu.dma_semaphore, #tpu.memory_space<semaphore_mem>>)
      %dma_wait3A_79 = arith.constant 0 : i32
      %dma_wait3A_80 = tpu.memref_slice %arg6[%arg0, %mul3A_0, %dma_wait3A_79] : memref<2x10240x128xf32, #tpu.memory_space<hbm>> -> memref<1x640x128xf32, #tpu.memory_space<hbm>>
      %dma_wait3A_81 = tpu.memref_squeeze %dma_wait3A_80 : memref<1x640x128xf32, #tpu.memory_space<hbm>> -> memref<640x128xf32, #tpu.memory_space<hbm>>
      %dma_wait3A_82 = arith.constant 0 : i32
      %dma_wait3A_83 = tpu.memref_slice %arg10[%mul3A_0, %dma_wait3A_82] : memref<10240x128xf32, #tpu.memory_space<vmem_shared>> -> memref<640x128xf32, #tpu.memory_space<vmem_shared>>
      tpu.wait_dma2 semaphore(%run_scoped3A_73 : memref<!tpu.dma_semaphore, #tpu.memory_space<semaphore_mem>>) src(%dma_wait3A_83 : memref<640x128xf32, #tpu.memory_space<vmem_shared>>) dst(%dma_wait3A_81 : memref<640x128xf32, #tpu.memory_space<hbm>>)
      tpu.yield
    }) : () -> ()
    return
  }
}

#map = affine_map<(d0, d1) -> (0, 0)>
#map1 = affine_map<(d0, d1) -> (0, 0, 0, 0, 0)>
#map2 = affine_map<(d0, d1) -> (0, 0, 0)>
module attributes {stable_mosaic.version = 14 : i64} {
  func.func @_sc_scatter_body(%arg0: i32, %arg1: i32, %arg2: memref<10000x128xf32, #tpu.memory_space<hbm>>, %arg3: memref<2x16x2x40x128xi32, #tpu.memory_space<hbm>>, %arg4: memref<2x16x2x40x128xi32, #tpu.memory_space<hbm>>, %arg5: memref<10240x128xf32, #tpu.memory_space<hbm>>, %arg6: memref<2x10240x128xf32, #tpu.memory_space<hbm>>, %arg7: memref<40x128xi32, #tpu.memory_space<vmem>>, %arg8: memref<40x128xi32, #tpu.memory_space<vmem>>, %arg9: memref<2x128x128xf32, #tpu.memory_space<vmem>>, %arg10: memref<10240x128xf32, #tpu.memory_space<vmem_shared>>, %arg11: memref<2x!tpu.dma_semaphore, #tpu.memory_space<semaphore_mem>>) attributes {dimension_semantics = [#tpu.dimension_semantics<core_parallel>, #tpu.dimension_semantics<subcore_parallel>], iteration_bounds = array<i64: 2, 16>, scalar_prefetch = 0 : i64, scratch_operands = 5 : i64, tpu.core_type = #tpu.core_type<sc_vector_subcore>, window_params = [{transform_indices = #map}, {transform_indices = #map1}, {transform_indices = #map1}, {transform_indices = #map}, {transform_indices = #map2}]} {
    %mul3A = arith.constant 640 : i32
    %mul3A_0 = arith.muli %arg1, %mul3A : i32
    "tpu.region"() ({
      %run_scoped3A_73 = tpu.sem_alloc : memref<!tpu.dma_semaphore, #tpu.memory_space<semaphore_mem>>
      %dma_start3A_74 = arith.constant 0 : i32
      %dma_start3A_75 = tpu.memref_slice %arg10[%mul3A_0, %dma_start3A_74] : memref<10240x128xf32, #tpu.memory_space<vmem_shared>> -> memref<640x128xf32, #tpu.memory_space<vmem_shared>>
      %dma_start3A_76 = arith.constant 0 : i32
      %dma_start3A_77 = tpu.memref_slice %arg5[%mul3A_0, %dma_start3A_76] : memref<10240x128xf32, #tpu.memory_space<hbm>> -> memref<640x128xf32, #tpu.memory_space<hbm>>
      tpu.enqueue_dma source(%dma_start3A_77 : memref<640x128xf32, #tpu.memory_space<hbm>>) target(%dma_start3A_75 : memref<640x128xf32, #tpu.memory_space<vmem_shared>>) target_semaphore(%run_scoped3A_73 : memref<!tpu.dma_semaphore, #tpu.memory_space<semaphore_mem>>)
      %dma_wait3A_78 = arith.constant 0 : i32
      %dma_wait3A_79 = tpu.memref_slice %arg10[%mul3A_0, %dma_wait3A_78] : memref<10240x128xf32, #tpu.memory_space<vmem_shared>> -> memref<640x128xf32, #tpu.memory_space<vmem_shared>>
      %dma_wait3A_80 = arith.constant 0 : i32
      %dma_wait3A_81 = tpu.memref_slice %arg5[%mul3A_0, %dma_wait3A_80] : memref<10240x128xf32, #tpu.memory_space<hbm>> -> memref<640x128xf32, #tpu.memory_space<hbm>>
      tpu.wait_dma2 semaphore(%run_scoped3A_73 : memref<!tpu.dma_semaphore, #tpu.memory_space<semaphore_mem>>) src(%dma_wait3A_81 : memref<640x128xf32, #tpu.memory_space<hbm>>) dst(%dma_wait3A_79 : memref<640x128xf32, #tpu.memory_space<vmem_shared>>)
      tpu.yield
    }) : () -> ()
    %barrier3A = arith.constant 0 : index
    tpu.barrier barrier_id(%barrier3A)
    %barrier3A_1 = arith.constant 0 : index
    tpu.barrier barrier_id(%barrier3A_1)
    %run_scoped3A = arith.constant 0 : i32
    "tpu.region"() ({
      %run_scoped3A_73 = tpu.sem_alloc : memref<!tpu.dma_semaphore, #tpu.memory_space<semaphore_mem>>
      %dma_start3A_74 = arith.constant 0 : i32
      %dma_start3A_75 = arith.constant 0 : i32
      %dma_start3A_76 = tpu.memref_slice %arg3[%arg0, %arg1, %run_scoped3A, %dma_start3A_74, %dma_start3A_75] : memref<2x16x2x40x128xi32, #tpu.memory_space<hbm>> -> memref<1x1x1x40x128xi32, #tpu.memory_space<hbm>>
      %dma_start3A_77 = tpu.memref_squeeze %dma_start3A_76 : memref<1x1x1x40x128xi32, #tpu.memory_space<hbm>> -> memref<40x128xi32, #tpu.memory_space<hbm>>
      %dma_start3A_78 = arith.constant 0 : i32
      %dma_start3A_79 = arith.constant 0 : i32
      %dma_start3A_80 = tpu.memref_slice %arg3[%arg0, %arg1, %run_scoped3A, %dma_start3A_78, %dma_start3A_79] : memref<2x16x2x40x128xi32, #tpu.memory_space<hbm>> -> memref<1x1x1x40x128xi32, #tpu.memory_space<hbm>>
      %dma_start3A_81 = tpu.memref_squeeze %dma_start3A_80 : memref<1x1x1x40x128xi32, #tpu.memory_space<hbm>> -> memref<40x128xi32, #tpu.memory_space<hbm>>
      tpu.enqueue_dma source(%dma_start3A_81 : memref<40x128xi32, #tpu.memory_space<hbm>>) target(%arg7 : memref<40x128xi32, #tpu.memory_space<vmem>>) target_semaphore(%run_scoped3A_73 : memref<!tpu.dma_semaphore, #tpu.memory_space<semaphore_mem>>)
      %dma_wait3A_82 = arith.constant 0 : i32
      %dma_wait3A_83 = arith.constant 0 : i32
      %dma_wait3A_84 = tpu.memref_slice %arg3[%arg0, %arg1, %run_scoped3A, %dma_wait3A_82, %dma_wait3A_83] : memref<2x16x2x40x128xi32, #tpu.memory_space<hbm>> -> memref<1x1x1x40x128xi32, #tpu.memory_space<hbm>>
      %dma_wait3A_85 = tpu.memref_squeeze %dma_wait3A_84 : memref<1x1x1x40x128xi32, #tpu.memory_space<hbm>> -> memref<40x128xi32, #tpu.memory_space<hbm>>
      %dma_wait3A_86 = arith.constant 0 : i32
      %dma_wait3A_87 = arith.constant 0 : i32
      %dma_wait3A_88 = tpu.memref_slice %arg3[%arg0, %arg1, %run_scoped3A, %dma_wait3A_86, %dma_wait3A_87] : memref<2x16x2x40x128xi32, #tpu.memory_space<hbm>> -> memref<1x1x1x40x128xi32, #tpu.memory_space<hbm>>
      %dma_wait3A_89 = tpu.memref_squeeze %dma_wait3A_88 : memref<1x1x1x40x128xi32, #tpu.memory_space<hbm>> -> memref<40x128xi32, #tpu.memory_space<hbm>>
      tpu.wait_dma2 semaphore(%run_scoped3A_73 : memref<!tpu.dma_semaphore, #tpu.memory_space<semaphore_mem>>) src(%dma_wait3A_89 : memref<40x128xi32, #tpu.memory_space<hbm>>) dst(%arg7 : memref<40x128xi32, #tpu.memory_space<vmem>>)
      tpu.yield
    }) : () -> ()
    %run_scoped3A_2 = arith.constant 0 : i32
    "tpu.region"() ({
      %run_scoped3A_73 = tpu.sem_alloc : memref<!tpu.dma_semaphore, #tpu.memory_space<semaphore_mem>>
      %dma_start3A_74 = arith.constant 0 : i32
      %dma_start3A_75 = arith.constant 0 : i32
      %dma_start3A_76 = tpu.memref_slice %arg4[%arg0, %arg1, %run_scoped3A_2, %dma_start3A_74, %dma_start3A_75] : memref<2x16x2x40x128xi32, #tpu.memory_space<hbm>> -> memref<1x1x1x40x128xi32, #tpu.memory_space<hbm>>
      %dma_start3A_77 = tpu.memref_squeeze %dma_start3A_76 : memref<1x1x1x40x128xi32, #tpu.memory_space<hbm>> -> memref<40x128xi32, #tpu.memory_space<hbm>>
      %dma_start3A_78 = arith.constant 0 : i32
      %dma_start3A_79 = arith.constant 0 : i32
      %dma_start3A_80 = tpu.memref_slice %arg4[%arg0, %arg1, %run_scoped3A_2, %dma_start3A_78, %dma_start3A_79] : memref<2x16x2x40x128xi32, #tpu.memory_space<hbm>> -> memref<1x1x1x40x128xi32, #tpu.memory_space<hbm>>
      %dma_start3A_81 = tpu.memref_squeeze %dma_start3A_80 : memref<1x1x1x40x128xi32, #tpu.memory_space<hbm>> -> memref<40x128xi32, #tpu.memory_space<hbm>>
      tpu.enqueue_dma source(%dma_start3A_81 : memref<40x128xi32, #tpu.memory_space<hbm>>) target(%arg8 : memref<40x128xi32, #tpu.memory_space<vmem>>) target_semaphore(%run_scoped3A_73 : memref<!tpu.dma_semaphore, #tpu.memory_space<semaphore_mem>>)
      %dma_wait3A_82 = arith.constant 0 : i32
      %dma_wait3A_83 = arith.constant 0 : i32
      %dma_wait3A_84 = tpu.memref_slice %arg4[%arg0, %arg1, %run_scoped3A_2, %dma_wait3A_82, %dma_wait3A_83] : memref<2x16x2x40x128xi32, #tpu.memory_space<hbm>> -> memref<1x1x1x40x128xi32, #tpu.memory_space<hbm>>
      %dma_wait3A_85 = tpu.memref_squeeze %dma_wait3A_84 : memref<1x1x1x40x128xi32, #tpu.memory_space<hbm>> -> memref<40x128xi32, #tpu.memory_space<hbm>>
      %dma_wait3A_86 = arith.constant 0 : i32
      %dma_wait3A_87 = arith.constant 0 : i32
      %dma_wait3A_88 = tpu.memref_slice %arg4[%arg0, %arg1, %run_scoped3A_2, %dma_wait3A_86, %dma_wait3A_87] : memref<2x16x2x40x128xi32, #tpu.memory_space<hbm>> -> memref<1x1x1x40x128xi32, #tpu.memory_space<hbm>>
      %dma_wait3A_89 = tpu.memref_squeeze %dma_wait3A_88 : memref<1x1x1x40x128xi32, #tpu.memory_space<hbm>> -> memref<40x128xi32, #tpu.memory_space<hbm>>
      tpu.wait_dma2 semaphore(%run_scoped3A_73 : memref<!tpu.dma_semaphore, #tpu.memory_space<semaphore_mem>>) src(%dma_wait3A_89 : memref<40x128xi32, #tpu.memory_space<hbm>>) dst(%arg8 : memref<40x128xi32, #tpu.memory_space<vmem>>)
      tpu.yield
    }) : () -> ()
    %dma_start3A = arith.constant 0 : i32
    %dma_start3A_3 = arith.constant 0 : i32
    %dma_start3A_4 = arith.constant 0 : i32
    %dma_start3A_5 = arith.constant 0 : i32
    %dma_start3A_6 = arith.constant 0 : i32
    %dma_start3A_7 = tpu.memref_slice %arg9[%dma_start3A_3, %dma_start3A_5, %dma_start3A_6] : memref<2x128x128xf32, #tpu.memory_space<vmem>> -> memref<1x128x128xf32, #tpu.memory_space<vmem>>
    %dma_start3A_8 = tpu.memref_squeeze %dma_start3A_7 : memref<1x128x128xf32, #tpu.memory_space<vmem>> -> memref<128x128xf32, #tpu.memory_space<vmem>>
    %dma_start3A_9 = arith.constant 0 : i32
    %dma_start3A_10 = tpu.memref_slice %arg7[%dma_start3A, %dma_start3A_9] : memref<40x128xi32, #tpu.memory_space<vmem>> -> memref<1x128xi32, #tpu.memory_space<vmem>>
    %dma_start3A_11 = tpu.memref_squeeze %dma_start3A_10 : memref<1x128xi32, #tpu.memory_space<vmem>> -> memref<128xi32, #tpu.memory_space<vmem>>
    %dma_start3A_12 = arith.constant 0 : i32
    %dma_start3A_13 = arith.constant 0 : i32
    %dma_start3A_14 = tpu.memref_slice %arg2[%dma_start3A_12, %dma_start3A_13] : memref<10000x128xf32, #tpu.memory_space<hbm>> -> memref<10000x128xf32, #tpu.memory_space<hbm>>
    %dma_start3A_15 = tpu.memref_slice %arg11[%dma_start3A_4] : memref<2x!tpu.dma_semaphore, #tpu.memory_space<semaphore_mem>> -> memref<1x!tpu.dma_semaphore, #tpu.memory_space<semaphore_mem>>
    %dma_start3A_16 = tpu.memref_squeeze %dma_start3A_15 : memref<1x!tpu.dma_semaphore, #tpu.memory_space<semaphore_mem>> -> memref<!tpu.dma_semaphore, #tpu.memory_space<semaphore_mem>>
    tpu.enqueue_indirect_dma source(%dma_start3A_14 : memref<10000x128xf32, #tpu.memory_space<hbm>>) target(%dma_start3A_8 : memref<128x128xf32, #tpu.memory_space<vmem>>) offsets(%dma_start3A_11 : memref<128xi32, #tpu.memory_space<vmem>>) semaphore(%dma_start3A_16 : memref<!tpu.dma_semaphore, #tpu.memory_space<semaphore_mem>>)
    %scan3A = arith.constant 0 : i32
    %scan3A_17 = arith.constant 40 : i32
    %scan3A_18 = arith.addi %scan3A, %scan3A_17 : i32
    %scan3A_19 = arith.constant 1 : i32
    scf.for %scan3A_73 = %scan3A to %scan3A_18 step %scan3A_19  : i32 {
      %mul3A_74 = arith.constant 1 : i32
      %mul3A_75 = arith.muli %scan3A_73, %mul3A_74 : i32
      %add3A = arith.constant 0 : i32
      %add3A_76 = arith.addi %add3A, %mul3A_75 : i32
      %rem3A = arith.constant 2 : i32
      %rem3A_77 = arith.remsi %add3A_76, %rem3A : i32
      %sub3A = arith.constant 1 : i32
      %sub3A_78 = arith.subi %sub3A, %rem3A_77 : i32
      %add3A_79 = arith.constant 1 : i32
      %add3A_80 = arith.addi %add3A_76, %add3A_79 : i32
      %rem3A_81 = arith.constant 40 : i32
      %rem3A_82 = arith.remsi %add3A_80, %rem3A_81 : i32
      %dma_start3A_83 = arith.constant 0 : i32
      %dma_start3A_84 = arith.constant 0 : i32
      %dma_start3A_85 = tpu.memref_slice %arg9[%sub3A_78, %dma_start3A_83, %dma_start3A_84] : memref<2x128x128xf32, #tpu.memory_space<vmem>> -> memref<1x128x128xf32, #tpu.memory_space<vmem>>
      %dma_start3A_86 = tpu.memref_squeeze %dma_start3A_85 : memref<1x128x128xf32, #tpu.memory_space<vmem>> -> memref<128x128xf32, #tpu.memory_space<vmem>>
      %dma_start3A_87 = arith.constant 0 : i32
      %dma_start3A_88 = tpu.memref_slice %arg7[%rem3A_82, %dma_start3A_87] : memref<40x128xi32, #tpu.memory_space<vmem>> -> memref<1x128xi32, #tpu.memory_space<vmem>>
      %dma_start3A_89 = tpu.memref_squeeze %dma_start3A_88 : memref<1x128xi32, #tpu.memory_space<vmem>> -> memref<128xi32, #tpu.memory_space<vmem>>
      %dma_start3A_90 = arith.constant 0 : i32
      %dma_start3A_91 = arith.constant 0 : i32
      %dma_start3A_92 = tpu.memref_slice %arg2[%dma_start3A_90, %dma_start3A_91] : memref<10000x128xf32, #tpu.memory_space<hbm>> -> memref<10000x128xf32, #tpu.memory_space<hbm>>
      %dma_start3A_93 = tpu.memref_slice %arg11[%sub3A_78] : memref<2x!tpu.dma_semaphore, #tpu.memory_space<semaphore_mem>> -> memref<1x!tpu.dma_semaphore, #tpu.memory_space<semaphore_mem>>
      %dma_start3A_94 = tpu.memref_squeeze %dma_start3A_93 : memref<1x!tpu.dma_semaphore, #tpu.memory_space<semaphore_mem>> -> memref<!tpu.dma_semaphore, #tpu.memory_space<semaphore_mem>>
      tpu.enqueue_indirect_dma source(%dma_start3A_92 : memref<10000x128xf32, #tpu.memory_space<hbm>>) target(%dma_start3A_86 : memref<128x128xf32, #tpu.memory_space<vmem>>) offsets(%dma_start3A_89 : memref<128xi32, #tpu.memory_space<vmem>>) semaphore(%dma_start3A_94 : memref<!tpu.dma_semaphore, #tpu.memory_space<semaphore_mem>>)
      %dma_wait3A_95 = arith.constant 0 : i32
      %dma_wait3A_96 = arith.constant 0 : i32
      %dma_wait3A_97 = tpu.memref_slice %arg9[%rem3A_77, %dma_wait3A_95, %dma_wait3A_96] : memref<2x128x128xf32, #tpu.memory_space<vmem>> -> memref<1x128x128xf32, #tpu.memory_space<vmem>>
      %dma_wait3A_98 = tpu.memref_squeeze %dma_wait3A_97 : memref<1x128x128xf32, #tpu.memory_space<vmem>> -> memref<128x128xf32, #tpu.memory_space<vmem>>
      %dma_wait3A_99 = arith.constant 0 : i32
      %dma_wait3A_100 = tpu.memref_slice %arg7[%add3A_76, %dma_wait3A_99] : memref<40x128xi32, #tpu.memory_space<vmem>> -> memref<1x128xi32, #tpu.memory_space<vmem>>
      %dma_wait3A_101 = tpu.memref_squeeze %dma_wait3A_100 : memref<1x128xi32, #tpu.memory_space<vmem>> -> memref<128xi32, #tpu.memory_space<vmem>>
      %dma_wait3A_102 = arith.constant 0 : i32
      %dma_wait3A_103 = arith.constant 0 : i32
      %dma_wait3A_104 = tpu.memref_slice %arg2[%dma_wait3A_102, %dma_wait3A_103] : memref<10000x128xf32, #tpu.memory_space<hbm>> -> memref<10000x128xf32, #tpu.memory_space<hbm>>
      %dma_wait3A_105 = tpu.memref_slice %arg11[%rem3A_77] : memref<2x!tpu.dma_semaphore, #tpu.memory_space<semaphore_mem>> -> memref<1x!tpu.dma_semaphore, #tpu.memory_space<semaphore_mem>>
      %dma_wait3A_106 = tpu.memref_squeeze %dma_wait3A_105 : memref<1x!tpu.dma_semaphore, #tpu.memory_space<semaphore_mem>> -> memref<!tpu.dma_semaphore, #tpu.memory_space<semaphore_mem>>
      tpu.wait_indirect_dma semaphore(%dma_wait3A_106 : memref<!tpu.dma_semaphore, #tpu.memory_space<semaphore_mem>>) src(%dma_wait3A_104 : memref<10000x128xf32, #tpu.memory_space<hbm>>) dst(%dma_wait3A_98 : memref<128x128xf32, #tpu.memory_space<vmem>>)
      "tpu.region"() ({
        %run_scoped3A_107 = tpu.sem_alloc : memref<!tpu.dma_semaphore, #tpu.memory_space<semaphore_mem>>
        %dma_start3A_108 = arith.constant 0 : i32
        %dma_start3A_109 = arith.constant 0 : i32
        %dma_start3A_110 = tpu.memref_slice %arg9[%rem3A_77, %dma_start3A_108, %dma_start3A_109] : memref<2x128x128xf32, #tpu.memory_space<vmem>> -> memref<1x128x128xf32, #tpu.memory_space<vmem>>
        %dma_start3A_111 = tpu.memref_squeeze %dma_start3A_110 : memref<1x128x128xf32, #tpu.memory_space<vmem>> -> memref<128x128xf32, #tpu.memory_space<vmem>>
        %dma_start3A_112 = arith.constant 0 : i32
        %dma_start3A_113 = tpu.memref_slice %arg8[%add3A_76, %dma_start3A_112] : memref<40x128xi32, #tpu.memory_space<vmem>> -> memref<1x128xi32, #tpu.memory_space<vmem>>
        %dma_start3A_114 = tpu.memref_squeeze %dma_start3A_113 : memref<1x128xi32, #tpu.memory_space<vmem>> -> memref<128xi32, #tpu.memory_space<vmem>>
        %dma_start3A_115 = arith.constant 0 : i32
        %dma_start3A_116 = arith.constant 0 : i32
        %dma_start3A_117 = tpu.memref_slice %arg10[%dma_start3A_115, %dma_start3A_116] : memref<10240x128xf32, #tpu.memory_space<vmem_shared>> -> memref<10240x128xf32, #tpu.memory_space<vmem_shared>>
        tpu.enqueue_indirect_dma source(%dma_start3A_111 : memref<128x128xf32, #tpu.memory_space<vmem>>) target(%dma_start3A_117 : memref<10240x128xf32, #tpu.memory_space<vmem_shared>>) offsets(%dma_start3A_114 : memref<128xi32, #tpu.memory_space<vmem>>) semaphore(%run_scoped3A_107 : memref<!tpu.dma_semaphore, #tpu.memory_space<semaphore_mem>>) {add = true}
        %dma_wait3A_118 = arith.constant 0 : i32
        %dma_wait3A_119 = arith.constant 0 : i32
        %dma_wait3A_120 = tpu.memref_slice %arg9[%rem3A_77, %dma_wait3A_118, %dma_wait3A_119] : memref<2x128x128xf32, #tpu.memory_space<vmem>> -> memref<1x128x128xf32, #tpu.memory_space<vmem>>
        %dma_wait3A_121 = tpu.memref_squeeze %dma_wait3A_120 : memref<1x128x128xf32, #tpu.memory_space<vmem>> -> memref<128x128xf32, #tpu.memory_space<vmem>>
        %dma_wait3A_122 = arith.constant 0 : i32
        %dma_wait3A_123 = tpu.memref_slice %arg8[%add3A_76, %dma_wait3A_122] : memref<40x128xi32, #tpu.memory_space<vmem>> -> memref<1x128xi32, #tpu.memory_space<vmem>>
        %dma_wait3A_124 = tpu.memref_squeeze %dma_wait3A_123 : memref<1x128xi32, #tpu.memory_space<vmem>> -> memref<128xi32, #tpu.memory_space<vmem>>
        %dma_wait3A_125 = arith.constant 0 : i32
        %dma_wait3A_126 = arith.constant 0 : i32
        %dma_wait3A_127 = tpu.memref_slice %arg10[%dma_wait3A_125, %dma_wait3A_126] : memref<10240x128xf32, #tpu.memory_space<vmem_shared>> -> memref<10240x128xf32, #tpu.memory_space<vmem_shared>>
        tpu.wait_indirect_dma semaphore(%run_scoped3A_107 : memref<!tpu.dma_semaphore, #tpu.memory_space<semaphore_mem>>) src(%dma_wait3A_121 : memref<128x128xf32, #tpu.memory_space<vmem>>) dst(%dma_wait3A_127 : memref<10240x128xf32, #tpu.memory_space<vmem_shared>>)
        tpu.yield
      }) : () -> ()
    }
    %scan3A_20 = arith.constant 40 : i32
    %dma_wait3A = arith.constant 0 : i32
    %dma_wait3A_21 = arith.constant 0 : i32
    %dma_wait3A_22 = arith.constant 0 : i32
    %dma_wait3A_23 = arith.constant 0 : i32
    %dma_wait3A_24 = arith.constant 0 : i32
    %dma_wait3A_25 = tpu.memref_slice %arg9[%dma_wait3A_21, %dma_wait3A_23, %dma_wait3A_24] : memref<2x128x128xf32, #tpu.memory_space<vmem>> -> memref<1x128x128xf32, #tpu.memory_space<vmem>>
    %dma_wait3A_26 = tpu.memref_squeeze %dma_wait3A_25 : memref<1x128x128xf32, #tpu.memory_space<vmem>> -> memref<128x128xf32, #tpu.memory_space<vmem>>
    %dma_wait3A_27 = arith.constant 0 : i32
    %dma_wait3A_28 = tpu.memref_slice %arg7[%dma_wait3A, %dma_wait3A_27] : memref<40x128xi32, #tpu.memory_space<vmem>> -> memref<1x128xi32, #tpu.memory_space<vmem>>
    %dma_wait3A_29 = tpu.memref_squeeze %dma_wait3A_28 : memref<1x128xi32, #tpu.memory_space<vmem>> -> memref<128xi32, #tpu.memory_space<vmem>>
    %dma_wait3A_30 = arith.constant 0 : i32
    %dma_wait3A_31 = arith.constant 0 : i32
    %dma_wait3A_32 = tpu.memref_slice %arg2[%dma_wait3A_30, %dma_wait3A_31] : memref<10000x128xf32, #tpu.memory_space<hbm>> -> memref<10000x128xf32, #tpu.memory_space<hbm>>
    %dma_wait3A_33 = tpu.memref_slice %arg11[%dma_wait3A_22] : memref<2x!tpu.dma_semaphore, #tpu.memory_space<semaphore_mem>> -> memref<1x!tpu.dma_semaphore, #tpu.memory_space<semaphore_mem>>
    %dma_wait3A_34 = tpu.memref_squeeze %dma_wait3A_33 : memref<1x!tpu.dma_semaphore, #tpu.memory_space<semaphore_mem>> -> memref<!tpu.dma_semaphore, #tpu.memory_space<semaphore_mem>>
    tpu.wait_indirect_dma semaphore(%dma_wait3A_34 : memref<!tpu.dma_semaphore, #tpu.memory_space<semaphore_mem>>) src(%dma_wait3A_32 : memref<10000x128xf32, #tpu.memory_space<hbm>>) dst(%dma_wait3A_26 : memref<128x128xf32, #tpu.memory_space<vmem>>)
    %run_scoped3A_35 = arith.constant 1 : i32
    "tpu.region"() ({
      %run_scoped3A_73 = tpu.sem_alloc : memref<!tpu.dma_semaphore, #tpu.memory_space<semaphore_mem>>
      %dma_start3A_74 = arith.constant 0 : i32
      %dma_start3A_75 = arith.constant 0 : i32
      %dma_start3A_76 = tpu.memref_slice %arg3[%arg0, %arg1, %run_scoped3A_35, %dma_start3A_74, %dma_start3A_75] : memref<2x16x2x40x128xi32, #tpu.memory_space<hbm>> -> memref<1x1x1x40x128xi32, #tpu.memory_space<hbm>>
      %dma_start3A_77 = tpu.memref_squeeze %dma_start3A_76 : memref<1x1x1x40x128xi32, #tpu.memory_space<hbm>> -> memref<40x128xi32, #tpu.memory_space<hbm>>
      %dma_start3A_78 = arith.constant 0 : i32
      %dma_start3A_79 = arith.constant 0 : i32
      %dma_start3A_80 = tpu.memref_slice %arg3[%arg0, %arg1, %run_scoped3A_35, %dma_start3A_78, %dma_start3A_79] : memref<2x16x2x40x128xi32, #tpu.memory_space<hbm>> -> memref<1x1x1x40x128xi32, #tpu.memory_space<hbm>>
      %dma_start3A_81 = tpu.memref_squeeze %dma_start3A_80 : memref<1x1x1x40x128xi32, #tpu.memory_space<hbm>> -> memref<40x128xi32, #tpu.memory_space<hbm>>
      tpu.enqueue_dma source(%dma_start3A_81 : memref<40x128xi32, #tpu.memory_space<hbm>>) target(%arg7 : memref<40x128xi32, #tpu.memory_space<vmem>>) target_semaphore(%run_scoped3A_73 : memref<!tpu.dma_semaphore, #tpu.memory_space<semaphore_mem>>)
      %dma_wait3A_82 = arith.constant 0 : i32
      %dma_wait3A_83 = arith.constant 0 : i32
      %dma_wait3A_84 = tpu.memref_slice %arg3[%arg0, %arg1, %run_scoped3A_35, %dma_wait3A_82, %dma_wait3A_83] : memref<2x16x2x40x128xi32, #tpu.memory_space<hbm>> -> memref<1x1x1x40x128xi32, #tpu.memory_space<hbm>>
      %dma_wait3A_85 = tpu.memref_squeeze %dma_wait3A_84 : memref<1x1x1x40x128xi32, #tpu.memory_space<hbm>> -> memref<40x128xi32, #tpu.memory_space<hbm>>
      %dma_wait3A_86 = arith.constant 0 : i32
      %dma_wait3A_87 = arith.constant 0 : i32
      %dma_wait3A_88 = tpu.memref_slice %arg3[%arg0, %arg1, %run_scoped3A_35, %dma_wait3A_86, %dma_wait3A_87] : memref<2x16x2x40x128xi32, #tpu.memory_space<hbm>> -> memref<1x1x1x40x128xi32, #tpu.memory_space<hbm>>
      %dma_wait3A_89 = tpu.memref_squeeze %dma_wait3A_88 : memref<1x1x1x40x128xi32, #tpu.memory_space<hbm>> -> memref<40x128xi32, #tpu.memory_space<hbm>>
      tpu.wait_dma2 semaphore(%run_scoped3A_73 : memref<!tpu.dma_semaphore, #tpu.memory_space<semaphore_mem>>) src(%dma_wait3A_89 : memref<40x128xi32, #tpu.memory_space<hbm>>) dst(%arg7 : memref<40x128xi32, #tpu.memory_space<vmem>>)
      tpu.yield
    }) : () -> ()
    %run_scoped3A_36 = arith.constant 1 : i32
    "tpu.region"() ({
      %run_scoped3A_73 = tpu.sem_alloc : memref<!tpu.dma_semaphore, #tpu.memory_space<semaphore_mem>>
      %dma_start3A_74 = arith.constant 0 : i32
      %dma_start3A_75 = arith.constant 0 : i32
      %dma_start3A_76 = tpu.memref_slice %arg4[%arg0, %arg1, %run_scoped3A_36, %dma_start3A_74, %dma_start3A_75] : memref<2x16x2x40x128xi32, #tpu.memory_space<hbm>> -> memref<1x1x1x40x128xi32, #tpu.memory_space<hbm>>
      %dma_start3A_77 = tpu.memref_squeeze %dma_start3A_76 : memref<1x1x1x40x128xi32, #tpu.memory_space<hbm>> -> memref<40x128xi32, #tpu.memory_space<hbm>>
      %dma_start3A_78 = arith.constant 0 : i32
      %dma_start3A_79 = arith.constant 0 : i32
      %dma_start3A_80 = tpu.memref_slice %arg4[%arg0, %arg1, %run_scoped3A_36, %dma_start3A_78, %dma_start3A_79] : memref<2x16x2x40x128xi32, #tpu.memory_space<hbm>> -> memref<1x1x1x40x128xi32, #tpu.memory_space<hbm>>
      %dma_start3A_81 = tpu.memref_squeeze %dma_start3A_80 : memref<1x1x1x40x128xi32, #tpu.memory_space<hbm>> -> memref<40x128xi32, #tpu.memory_space<hbm>>
      tpu.enqueue_dma source(%dma_start3A_81 : memref<40x128xi32, #tpu.memory_space<hbm>>) target(%arg8 : memref<40x128xi32, #tpu.memory_space<vmem>>) target_semaphore(%run_scoped3A_73 : memref<!tpu.dma_semaphore, #tpu.memory_space<semaphore_mem>>)
      %dma_wait3A_82 = arith.constant 0 : i32
      %dma_wait3A_83 = arith.constant 0 : i32
      %dma_wait3A_84 = tpu.memref_slice %arg4[%arg0, %arg1, %run_scoped3A_36, %dma_wait3A_82, %dma_wait3A_83] : memref<2x16x2x40x128xi32, #tpu.memory_space<hbm>> -> memref<1x1x1x40x128xi32, #tpu.memory_space<hbm>>
      %dma_wait3A_85 = tpu.memref_squeeze %dma_wait3A_84 : memref<1x1x1x40x128xi32, #tpu.memory_space<hbm>> -> memref<40x128xi32, #tpu.memory_space<hbm>>
      %dma_wait3A_86 = arith.constant 0 : i32
      %dma_wait3A_87 = arith.constant 0 : i32
      %dma_wait3A_88 = tpu.memref_slice %arg4[%arg0, %arg1, %run_scoped3A_36, %dma_wait3A_86, %dma_wait3A_87] : memref<2x16x2x40x128xi32, #tpu.memory_space<hbm>> -> memref<1x1x1x40x128xi32, #tpu.memory_space<hbm>>
      %dma_wait3A_89 = tpu.memref_squeeze %dma_wait3A_88 : memref<1x1x1x40x128xi32, #tpu.memory_space<hbm>> -> memref<40x128xi32, #tpu.memory_space<hbm>>
      tpu.wait_dma2 semaphore(%run_scoped3A_73 : memref<!tpu.dma_semaphore, #tpu.memory_space<semaphore_mem>>) src(%dma_wait3A_89 : memref<40x128xi32, #tpu.memory_space<hbm>>) dst(%arg8 : memref<40x128xi32, #tpu.memory_space<vmem>>)
      tpu.yield
    }) : () -> ()
    %dma_start3A_37 = arith.constant 0 : i32
    %dma_start3A_38 = arith.constant 0 : i32
    %dma_start3A_39 = arith.constant 0 : i32
    %dma_start3A_40 = arith.constant 0 : i32
    %dma_start3A_41 = arith.constant 0 : i32
    %dma_start3A_42 = tpu.memref_slice %arg9[%dma_start3A_38, %dma_start3A_40, %dma_start3A_41] : memref<2x128x128xf32, #tpu.memory_space<vmem>> -> memref<1x128x128xf32, #tpu.memory_space<vmem>>
    %dma_start3A_43 = tpu.memref_squeeze %dma_start3A_42 : memref<1x128x128xf32, #tpu.memory_space<vmem>> -> memref<128x128xf32, #tpu.memory_space<vmem>>
    %dma_start3A_44 = arith.constant 0 : i32
    %dma_start3A_45 = tpu.memref_slice %arg7[%dma_start3A_37, %dma_start3A_44] : memref<40x128xi32, #tpu.memory_space<vmem>> -> memref<1x128xi32, #tpu.memory_space<vmem>>
    %dma_start3A_46 = tpu.memref_squeeze %dma_start3A_45 : memref<1x128xi32, #tpu.memory_space<vmem>> -> memref<128xi32, #tpu.memory_space<vmem>>
    %dma_start3A_47 = arith.constant 0 : i32
    %dma_start3A_48 = arith.constant 0 : i32
    %dma_start3A_49 = tpu.memref_slice %arg2[%dma_start3A_47, %dma_start3A_48] : memref<10000x128xf32, #tpu.memory_space<hbm>> -> memref<10000x128xf32, #tpu.memory_space<hbm>>
    %dma_start3A_50 = tpu.memref_slice %arg11[%dma_start3A_39] : memref<2x!tpu.dma_semaphore, #tpu.memory_space<semaphore_mem>> -> memref<1x!tpu.dma_semaphore, #tpu.memory_space<semaphore_mem>>
    %dma_start3A_51 = tpu.memref_squeeze %dma_start3A_50 : memref<1x!tpu.dma_semaphore, #tpu.memory_space<semaphore_mem>> -> memref<!tpu.dma_semaphore, #tpu.memory_space<semaphore_mem>>
    tpu.enqueue_indirect_dma source(%dma_start3A_49 : memref<10000x128xf32, #tpu.memory_space<hbm>>) target(%dma_start3A_43 : memref<128x128xf32, #tpu.memory_space<vmem>>) offsets(%dma_start3A_46 : memref<128xi32, #tpu.memory_space<vmem>>) semaphore(%dma_start3A_51 : memref<!tpu.dma_semaphore, #tpu.memory_space<semaphore_mem>>)
    %scan3A_52 = arith.constant 0 : i32
    %scan3A_53 = arith.constant 40 : i32
    %scan3A_54 = arith.addi %scan3A_52, %scan3A_53 : i32
    %scan3A_55 = arith.constant 1 : i32
    scf.for %scan3A_73 = %scan3A_52 to %scan3A_54 step %scan3A_55  : i32 {
      %mul3A_74 = arith.constant 1 : i32
      %mul3A_75 = arith.muli %scan3A_73, %mul3A_74 : i32
      %add3A = arith.constant 0 : i32
      %add3A_76 = arith.addi %add3A, %mul3A_75 : i32
      %rem3A = arith.constant 2 : i32
      %rem3A_77 = arith.remsi %add3A_76, %rem3A : i32
      %sub3A = arith.constant 1 : i32
      %sub3A_78 = arith.subi %sub3A, %rem3A_77 : i32
      %add3A_79 = arith.constant 1 : i32
      %add3A_80 = arith.addi %add3A_76, %add3A_79 : i32
      %rem3A_81 = arith.constant 40 : i32
      %rem3A_82 = arith.remsi %add3A_80, %rem3A_81 : i32
      %dma_start3A_83 = arith.constant 0 : i32
      %dma_start3A_84 = arith.constant 0 : i32
      %dma_start3A_85 = tpu.memref_slice %arg9[%sub3A_78, %dma_start3A_83, %dma_start3A_84] : memref<2x128x128xf32, #tpu.memory_space<vmem>> -> memref<1x128x128xf32, #tpu.memory_space<vmem>>
      %dma_start3A_86 = tpu.memref_squeeze %dma_start3A_85 : memref<1x128x128xf32, #tpu.memory_space<vmem>> -> memref<128x128xf32, #tpu.memory_space<vmem>>
      %dma_start3A_87 = arith.constant 0 : i32
      %dma_start3A_88 = tpu.memref_slice %arg7[%rem3A_82, %dma_start3A_87] : memref<40x128xi32, #tpu.memory_space<vmem>> -> memref<1x128xi32, #tpu.memory_space<vmem>>
      %dma_start3A_89 = tpu.memref_squeeze %dma_start3A_88 : memref<1x128xi32, #tpu.memory_space<vmem>> -> memref<128xi32, #tpu.memory_space<vmem>>
      %dma_start3A_90 = arith.constant 0 : i32
      %dma_start3A_91 = arith.constant 0 : i32
      %dma_start3A_92 = tpu.memref_slice %arg2[%dma_start3A_90, %dma_start3A_91] : memref<10000x128xf32, #tpu.memory_space<hbm>> -> memref<10000x128xf32, #tpu.memory_space<hbm>>
      %dma_start3A_93 = tpu.memref_slice %arg11[%sub3A_78] : memref<2x!tpu.dma_semaphore, #tpu.memory_space<semaphore_mem>> -> memref<1x!tpu.dma_semaphore, #tpu.memory_space<semaphore_mem>>
      %dma_start3A_94 = tpu.memref_squeeze %dma_start3A_93 : memref<1x!tpu.dma_semaphore, #tpu.memory_space<semaphore_mem>> -> memref<!tpu.dma_semaphore, #tpu.memory_space<semaphore_mem>>
      tpu.enqueue_indirect_dma source(%dma_start3A_92 : memref<10000x128xf32, #tpu.memory_space<hbm>>) target(%dma_start3A_86 : memref<128x128xf32, #tpu.memory_space<vmem>>) offsets(%dma_start3A_89 : memref<128xi32, #tpu.memory_space<vmem>>) semaphore(%dma_start3A_94 : memref<!tpu.dma_semaphore, #tpu.memory_space<semaphore_mem>>)
      %dma_wait3A_95 = arith.constant 0 : i32
      %dma_wait3A_96 = arith.constant 0 : i32
      %dma_wait3A_97 = tpu.memref_slice %arg9[%rem3A_77, %dma_wait3A_95, %dma_wait3A_96] : memref<2x128x128xf32, #tpu.memory_space<vmem>> -> memref<1x128x128xf32, #tpu.memory_space<vmem>>
      %dma_wait3A_98 = tpu.memref_squeeze %dma_wait3A_97 : memref<1x128x128xf32, #tpu.memory_space<vmem>> -> memref<128x128xf32, #tpu.memory_space<vmem>>
      %dma_wait3A_99 = arith.constant 0 : i32
      %dma_wait3A_100 = tpu.memref_slice %arg7[%add3A_76, %dma_wait3A_99] : memref<40x128xi32, #tpu.memory_space<vmem>> -> memref<1x128xi32, #tpu.memory_space<vmem>>
      %dma_wait3A_101 = tpu.memref_squeeze %dma_wait3A_100 : memref<1x128xi32, #tpu.memory_space<vmem>> -> memref<128xi32, #tpu.memory_space<vmem>>
      %dma_wait3A_102 = arith.constant 0 : i32
      %dma_wait3A_103 = arith.constant 0 : i32
      %dma_wait3A_104 = tpu.memref_slice %arg2[%dma_wait3A_102, %dma_wait3A_103] : memref<10000x128xf32, #tpu.memory_space<hbm>> -> memref<10000x128xf32, #tpu.memory_space<hbm>>
      %dma_wait3A_105 = tpu.memref_slice %arg11[%rem3A_77] : memref<2x!tpu.dma_semaphore, #tpu.memory_space<semaphore_mem>> -> memref<1x!tpu.dma_semaphore, #tpu.memory_space<semaphore_mem>>
      %dma_wait3A_106 = tpu.memref_squeeze %dma_wait3A_105 : memref<1x!tpu.dma_semaphore, #tpu.memory_space<semaphore_mem>> -> memref<!tpu.dma_semaphore, #tpu.memory_space<semaphore_mem>>
      tpu.wait_indirect_dma semaphore(%dma_wait3A_106 : memref<!tpu.dma_semaphore, #tpu.memory_space<semaphore_mem>>) src(%dma_wait3A_104 : memref<10000x128xf32, #tpu.memory_space<hbm>>) dst(%dma_wait3A_98 : memref<128x128xf32, #tpu.memory_space<vmem>>)
      "tpu.region"() ({
        %run_scoped3A_107 = tpu.sem_alloc : memref<!tpu.dma_semaphore, #tpu.memory_space<semaphore_mem>>
        %dma_start3A_108 = arith.constant 0 : i32
        %dma_start3A_109 = arith.constant 0 : i32
        %dma_start3A_110 = tpu.memref_slice %arg9[%rem3A_77, %dma_start3A_108, %dma_start3A_109] : memref<2x128x128xf32, #tpu.memory_space<vmem>> -> memref<1x128x128xf32, #tpu.memory_space<vmem>>
        %dma_start3A_111 = tpu.memref_squeeze %dma_start3A_110 : memref<1x128x128xf32, #tpu.memory_space<vmem>> -> memref<128x128xf32, #tpu.memory_space<vmem>>
        %dma_start3A_112 = arith.constant 0 : i32
        %dma_start3A_113 = tpu.memref_slice %arg8[%add3A_76, %dma_start3A_112] : memref<40x128xi32, #tpu.memory_space<vmem>> -> memref<1x128xi32, #tpu.memory_space<vmem>>
        %dma_start3A_114 = tpu.memref_squeeze %dma_start3A_113 : memref<1x128xi32, #tpu.memory_space<vmem>> -> memref<128xi32, #tpu.memory_space<vmem>>
        %dma_start3A_115 = arith.constant 0 : i32
        %dma_start3A_116 = arith.constant 0 : i32
        %dma_start3A_117 = tpu.memref_slice %arg10[%dma_start3A_115, %dma_start3A_116] : memref<10240x128xf32, #tpu.memory_space<vmem_shared>> -> memref<10240x128xf32, #tpu.memory_space<vmem_shared>>
        tpu.enqueue_indirect_dma source(%dma_start3A_111 : memref<128x128xf32, #tpu.memory_space<vmem>>) target(%dma_start3A_117 : memref<10240x128xf32, #tpu.memory_space<vmem_shared>>) offsets(%dma_start3A_114 : memref<128xi32, #tpu.memory_space<vmem>>) semaphore(%run_scoped3A_107 : memref<!tpu.dma_semaphore, #tpu.memory_space<semaphore_mem>>) {add = true}
        %dma_wait3A_118 = arith.constant 0 : i32
        %dma_wait3A_119 = arith.constant 0 : i32
        %dma_wait3A_120 = tpu.memref_slice %arg9[%rem3A_77, %dma_wait3A_118, %dma_wait3A_119] : memref<2x128x128xf32, #tpu.memory_space<vmem>> -> memref<1x128x128xf32, #tpu.memory_space<vmem>>
        %dma_wait3A_121 = tpu.memref_squeeze %dma_wait3A_120 : memref<1x128x128xf32, #tpu.memory_space<vmem>> -> memref<128x128xf32, #tpu.memory_space<vmem>>
        %dma_wait3A_122 = arith.constant 0 : i32
        %dma_wait3A_123 = tpu.memref_slice %arg8[%add3A_76, %dma_wait3A_122] : memref<40x128xi32, #tpu.memory_space<vmem>> -> memref<1x128xi32, #tpu.memory_space<vmem>>
        %dma_wait3A_124 = tpu.memref_squeeze %dma_wait3A_123 : memref<1x128xi32, #tpu.memory_space<vmem>> -> memref<128xi32, #tpu.memory_space<vmem>>
        %dma_wait3A_125 = arith.constant 0 : i32
        %dma_wait3A_126 = arith.constant 0 : i32
        %dma_wait3A_127 = tpu.memref_slice %arg10[%dma_wait3A_125, %dma_wait3A_126] : memref<10240x128xf32, #tpu.memory_space<vmem_shared>> -> memref<10240x128xf32, #tpu.memory_space<vmem_shared>>
        tpu.wait_indirect_dma semaphore(%run_scoped3A_107 : memref<!tpu.dma_semaphore, #tpu.memory_space<semaphore_mem>>) src(%dma_wait3A_121 : memref<128x128xf32, #tpu.memory_space<vmem>>) dst(%dma_wait3A_127 : memref<10240x128xf32, #tpu.memory_space<vmem_shared>>)
        tpu.yield
      }) : () -> ()
    }
    %scan3A_56 = arith.constant 40 : i32
    %dma_wait3A_57 = arith.constant 0 : i32
    %dma_wait3A_58 = arith.constant 0 : i32
    %dma_wait3A_59 = arith.constant 0 : i32
    %dma_wait3A_60 = arith.constant 0 : i32
    %dma_wait3A_61 = arith.constant 0 : i32
    %dma_wait3A_62 = tpu.memref_slice %arg9[%dma_wait3A_58, %dma_wait3A_60, %dma_wait3A_61] : memref<2x128x128xf32, #tpu.memory_space<vmem>> -> memref<1x128x128xf32, #tpu.memory_space<vmem>>
    %dma_wait3A_63 = tpu.memref_squeeze %dma_wait3A_62 : memref<1x128x128xf32, #tpu.memory_space<vmem>> -> memref<128x128xf32, #tpu.memory_space<vmem>>
    %dma_wait3A_64 = arith.constant 0 : i32
    %dma_wait3A_65 = tpu.memref_slice %arg7[%dma_wait3A_57, %dma_wait3A_64] : memref<40x128xi32, #tpu.memory_space<vmem>> -> memref<1x128xi32, #tpu.memory_space<vmem>>
    %dma_wait3A_66 = tpu.memref_squeeze %dma_wait3A_65 : memref<1x128xi32, #tpu.memory_space<vmem>> -> memref<128xi32, #tpu.memory_space<vmem>>
    %dma_wait3A_67 = arith.constant 0 : i32
    %dma_wait3A_68 = arith.constant 0 : i32
    %dma_wait3A_69 = tpu.memref_slice %arg2[%dma_wait3A_67, %dma_wait3A_68] : memref<10000x128xf32, #tpu.memory_space<hbm>> -> memref<10000x128xf32, #tpu.memory_space<hbm>>
    %dma_wait3A_70 = tpu.memref_slice %arg11[%dma_wait3A_59] : memref<2x!tpu.dma_semaphore, #tpu.memory_space<semaphore_mem>> -> memref<1x!tpu.dma_semaphore, #tpu.memory_space<semaphore_mem>>
    %dma_wait3A_71 = tpu.memref_squeeze %dma_wait3A_70 : memref<1x!tpu.dma_semaphore, #tpu.memory_space<semaphore_mem>> -> memref<!tpu.dma_semaphore, #tpu.memory_space<semaphore_mem>>
    tpu.wait_indirect_dma semaphore(%dma_wait3A_71 : memref<!tpu.dma_semaphore, #tpu.memory_space<semaphore_mem>>) src(%dma_wait3A_69 : memref<10000x128xf32, #tpu.memory_space<hbm>>) dst(%dma_wait3A_63 : memref<128x128xf32, #tpu.memory_space<vmem>>)
    %barrier3A_72 = arith.constant 0 : index
    tpu.barrier barrier_id(%barrier3A_72)
    "tpu.region"() ({
      %run_scoped3A_73 = tpu.sem_alloc : memref<!tpu.dma_semaphore, #tpu.memory_space<semaphore_mem>>
      %dma_start3A_74 = arith.constant 0 : i32
      %dma_start3A_75 = tpu.memref_slice %arg6[%arg0, %mul3A_0, %dma_start3A_74] : memref<2x10240x128xf32, #tpu.memory_space<hbm>> -> memref<1x640x128xf32, #tpu.memory_space<hbm>>
      %dma_start3A_76 = tpu.memref_squeeze %dma_start3A_75 : memref<1x640x128xf32, #tpu.memory_space<hbm>> -> memref<640x128xf32, #tpu.memory_space<hbm>>
      %dma_start3A_77 = arith.constant 0 : i32
      %dma_start3A_78 = tpu.memref_slice %arg10[%mul3A_0, %dma_start3A_77] : memref<10240x128xf32, #tpu.memory_space<vmem_shared>> -> memref<640x128xf32, #tpu.memory_space<vmem_shared>>
      tpu.enqueue_dma source(%dma_start3A_78 : memref<640x128xf32, #tpu.memory_space<vmem_shared>>) target(%dma_start3A_76 : memref<640x128xf32, #tpu.memory_space<hbm>>) target_semaphore(%run_scoped3A_73 : memref<!tpu.dma_semaphore, #tpu.memory_space<semaphore_mem>>)
      %dma_wait3A_79 = arith.constant 0 : i32
      %dma_wait3A_80 = tpu.memref_slice %arg6[%arg0, %mul3A_0, %dma_wait3A_79] : memref<2x10240x128xf32, #tpu.memory_space<hbm>> -> memref<1x640x128xf32, #tpu.memory_space<hbm>>
      %dma_wait3A_81 = tpu.memref_squeeze %dma_wait3A_80 : memref<1x640x128xf32, #tpu.memory_space<hbm>> -> memref<640x128xf32, #tpu.memory_space<hbm>>
      %dma_wait3A_82 = arith.constant 0 : i32
      %dma_wait3A_83 = tpu.memref_slice %arg10[%mul3A_0, %dma_wait3A_82] : memref<10240x128xf32, #tpu.memory_space<vmem_shared>> -> memref<640x128xf32, #tpu.memory_space<vmem_shared>>
      tpu.wait_dma2 semaphore(%run_scoped3A_73 : memref<!tpu.dma_semaphore, #tpu.memory_space<semaphore_mem>>) src(%dma_wait3A_83 : memref<640x128xf32, #tpu.memory_space<vmem_shared>>) dst(%dma_wait3A_81 : memref<640x128xf32, #tpu.memory_space<hbm>>)
      tpu.yield
    }) : () -> ()
    return
  }
}

module attributes {stable_mosaic.version = 14 : i64} {
  func.func @_tc_hneigh_body(%arg0: memref<10000x128xf32, #tpu.memory_space<vmem>>, %arg1: memref<128x128xf32, #tpu.memory_space<vmem>>, %arg2: memref<1x128xf32, #tpu.memory_space<vmem>>, %arg3: memref<10000x128xf32, #tpu.memory_space<vmem>>) attributes {dimension_semantics = [], scalar_prefetch = 0 : i64, scratch_operands = 0 : i64, tpu.core_type = #tpu.core_type<tc>} {
    %get3A = arith.constant 0 : index
    %get3A_0 = arith.constant 0 : index
    %get3A_1 = vector.load %arg0[%get3A, %get3A_0] : memref<10000x128xf32, #tpu.memory_space<vmem>>, vector<10000x128xf32>
    %get3A_2 = arith.constant 0 : index
    %get3A_3 = arith.constant 0 : index
    %get3A_4 = vector.load %arg1[%get3A_2, %get3A_3] : memref<128x128xf32, #tpu.memory_space<vmem>>, vector<128x128xf32>
    %dot_general3A = arith.constant dense<0.000000e+00> : vector<10000x128xf32>
    %dot_general3A_5 = tpu.matmul %get3A_1, %get3A_4, %dot_general3A {dimension_numbers = #tpu.dot_dimension_numbers<[1], [1], [0], [0], [0, 0, 1, 0], [], []>, transpose_lhs_hint = false} : vector<10000x128xf32>, vector<128x128xf32>, vector<10000x128xf32> -> vector<10000x128xf32>
    %get3A_6 = arith.constant 0 : index
    %get3A_7 = arith.constant 0 : index
    %get3A_8 = vector.load %arg2[%get3A_6, %get3A_7] : memref<1x128xf32, #tpu.memory_space<vmem>>, vector<1x128xf32>
    %add3A = vector.broadcast %get3A_8 : vector<1x128xf32> to vector<10000x128xf32>
    %add3A_9 = arith.addf %dot_general3A_5, %add3A : vector<10000x128xf32>
    %swap3A = arith.constant 0 : index
    %swap3A_10 = arith.constant 0 : index
    %swap3A_11 = vector.load %arg3[%swap3A, %swap3A_10] : memref<10000x128xf32, #tpu.memory_space<vmem>>, vector<10000x128xf32>
    tpu.vector_store %arg3[%swap3A, %swap3A_10], %add3A_9 {strides = array<i32>} : memref<10000x128xf32, #tpu.memory_space<vmem>>, vector<10000x128xf32>,
    return
  }
}

module attributes {stable_mosaic.version = 14 : i64} {
  func.func @_tc_dense_body(%arg0: memref<10000x128xf32, #tpu.memory_space<vmem>>, %arg1: memref<128x128xf32, #tpu.memory_space<vmem>>, %arg2: memref<1x128xf32, #tpu.memory_space<vmem>>, %arg3: memref<128x256xf32, #tpu.memory_space<vmem>>, %arg4: memref<1x128xf32, #tpu.memory_space<vmem>>, %arg5: memref<128x384xf32, #tpu.memory_space<vmem>>, %arg6: memref<1x128xf32, #tpu.memory_space<vmem>>, %arg7: memref<10000x128xf32, #tpu.memory_space<vmem>>) attributes {dimension_semantics = [], scalar_prefetch = 0 : i64, scratch_operands = 0 : i64, tpu.core_type = #tpu.core_type<tc>} {
    %get3A = arith.constant 0 : index
    %get3A_0 = arith.constant 0 : index
    %get3A_1 = vector.load %arg0[%get3A, %get3A_0] : memref<10000x128xf32, #tpu.memory_space<vmem>>, vector<10000x128xf32>
    %get3A_2 = arith.constant 0 : index
    %get3A_3 = arith.constant 0 : index
    %get3A_4 = vector.load %arg1[%get3A_2, %get3A_3] : memref<128x128xf32, #tpu.memory_space<vmem>>, vector<128x128xf32>
    %dot_general3A = arith.constant dense<0.000000e+00> : vector<10000x128xf32>
    %dot_general3A_5 = tpu.matmul %get3A_1, %get3A_4, %dot_general3A {dimension_numbers = #tpu.dot_dimension_numbers<[1], [1], [0], [0], [0, 0, 1, 0], [], []>, transpose_lhs_hint = false} : vector<10000x128xf32>, vector<128x128xf32>, vector<10000x128xf32> -> vector<10000x128xf32>
    %get3A_6 = arith.constant 0 : index
    %get3A_7 = arith.constant 0 : index
    %get3A_8 = vector.load %arg2[%get3A_6, %get3A_7] : memref<1x128xf32, #tpu.memory_space<vmem>>, vector<1x128xf32>
    %add3A = vector.broadcast %get3A_8 : vector<1x128xf32> to vector<10000x128xf32>
    %add3A_9 = arith.addf %dot_general3A_5, %add3A : vector<10000x128xf32>
    %broadcast_in_dim3A = arith.constant 0.000000e+00 : f32
    %broadcast_in_dim3A_10 = vector.broadcast %broadcast_in_dim3A : f32 to vector<1x128xf32>
    %slice3A = vector.extract_strided_slice %add3A_9 {offsets = [1, 0], sizes = [9999, 128], strides = [1, 1]} : vector<10000x128xf32> to vector<9999x128xf32>
    %concatenate3A = tpu.concatenate %slice3A, %broadcast_in_dim3A_10 in 0 : vector<9999x128xf32>, vector<1x128xf32> -> vector<10000x128xf32>
    %slice3A_11 = vector.extract_strided_slice %add3A_9 {offsets = [0, 0], sizes = [9999, 128], strides = [1, 1]} : vector<10000x128xf32> to vector<9999x128xf32>
    %concatenate3A_12 = tpu.concatenate %broadcast_in_dim3A_10, %slice3A_11 in 0 : vector<1x128xf32>, vector<9999x128xf32> -> vector<10000x128xf32>
    %iota3A = tpu.iota {dimensions = array<i32: 0>} : vector<10000x1xi32>
    %eq3A = arith.constant 0 : i32
    %eq3A_13 = vector.broadcast %eq3A : i32 to vector<10000x1xi32>
    %eq3A_14 = arith.cmpi eq, %iota3A, %eq3A_13 : vector<10000x1xi32>
    %eq3A_15 = arith.constant 9999 : i32
    %eq3A_16 = vector.broadcast %eq3A_15 : i32 to vector<10000x1xi32>
    %eq3A_17 = arith.cmpi eq, %iota3A, %eq3A_16 : vector<10000x1xi32>
    %or3A = arith.ori %eq3A_14, %eq3A_17 : vector<10000x1xi1>
    %jit3A = arith.constant 1.000000e+00 : f32
    %jit3A_18 = arith.constant 2.000000e+00 : f32
    %broadcast_in_dim3A_19 = vector.broadcast %jit3A : f32 to vector<10000x1xf32>
    %broadcast_in_dim3A_20 = vector.broadcast %jit3A_18 : f32 to vector<10000x1xf32>
    %select_n3A = arith.select %or3A, %broadcast_in_dim3A_19, %broadcast_in_dim3A_20 : vector<10000x1xi1>, vector<10000x1xf32>
    %add3A_21 = arith.addf %get3A_1, %concatenate3A : vector<10000x128xf32>
    %add3A_22 = arith.addf %add3A_21, %concatenate3A_12 : vector<10000x128xf32>
    %div3A = vector.broadcast %select_n3A : vector<10000x1xf32> to vector<10000x128xf32>
    %div3A_23 = arith.divf %add3A_22, %div3A : vector<10000x128xf32>
    %get3A_24 = arith.constant 0 : index
    %get3A_25 = arith.constant 0 : index
    %get3A_26 = vector.load %arg3[%get3A_24, %get3A_25] : memref<128x256xf32, #tpu.memory_space<vmem>>, vector<128x256xf32>
    %slice3A_27 = vector.extract_strided_slice %get3A_26 {offsets = [0, 0], sizes = [128, 128], strides = [1, 1]} : vector<128x256xf32> to vector<128x128xf32>
    %dot_general3A_28 = arith.constant dense<0.000000e+00> : vector<10000x128xf32>
    %dot_general3A_29 = tpu.matmul %get3A_1, %slice3A_27, %dot_general3A_28 {dimension_numbers = #tpu.dot_dimension_numbers<[1], [1], [0], [0], [0, 0, 1, 0], [], []>, transpose_lhs_hint = false} : vector<10000x128xf32>, vector<128x128xf32>, vector<10000x128xf32> -> vector<10000x128xf32>
    %slice3A_30 = vector.extract_strided_slice %get3A_26 {offsets = [0, 128], sizes = [128, 128], strides = [1, 1]} : vector<128x256xf32> to vector<128x128xf32>
    %dot_general3A_31 = arith.constant dense<0.000000e+00> : vector<10000x128xf32>
    %dot_general3A_32 = tpu.matmul %div3A_23, %slice3A_30, %dot_general3A_31 {dimension_numbers = #tpu.dot_dimension_numbers<[1], [1], [0], [0], [0, 0, 1, 0], [], []>, transpose_lhs_hint = false} : vector<10000x128xf32>, vector<128x128xf32>, vector<10000x128xf32> -> vector<10000x128xf32>
    %add3A_33 = arith.addf %dot_general3A_29, %dot_general3A_32 : vector<10000x128xf32>
    %get3A_34 = arith.constant 0 : index
    %get3A_35 = arith.constant 0 : index
    %get3A_36 = vector.load %arg4[%get3A_34, %get3A_35] : memref<1x128xf32, #tpu.memory_space<vmem>>, vector<1x128xf32>
    %add3A_37 = vector.broadcast %get3A_36 : vector<1x128xf32> to vector<10000x128xf32>
    %add3A_38 = arith.addf %add3A_33, %add3A_37 : vector<10000x128xf32>
    %get3A_39 = arith.constant 0 : index
    %get3A_40 = arith.constant 0 : index
    %get3A_41 = vector.load %arg5[%get3A_39, %get3A_40] : memref<128x384xf32, #tpu.memory_space<vmem>>, vector<128x384xf32>
    %slice3A_42 = vector.extract_strided_slice %get3A_41 {offsets = [0, 128], sizes = [128, 128], strides = [1, 1]} : vector<128x384xf32> to vector<128x128xf32>
    %dot_general3A_43 = arith.constant dense<0.000000e+00> : vector<10000x128xf32>
    %dot_general3A_44 = tpu.matmul %get3A_1, %slice3A_42, %dot_general3A_43 {dimension_numbers = #tpu.dot_dimension_numbers<[1], [1], [0], [0], [0, 0, 1, 0], [], []>, transpose_lhs_hint = false} : vector<10000x128xf32>, vector<128x128xf32>, vector<10000x128xf32> -> vector<10000x128xf32>
    %slice3A_45 = vector.extract_strided_slice %get3A_41 {offsets = [0, 256], sizes = [128, 128], strides = [1, 1]} : vector<128x384xf32> to vector<128x128xf32>
    %dot_general3A_46 = arith.constant dense<0.000000e+00> : vector<10000x128xf32>
    %dot_general3A_47 = tpu.matmul %add3A_38, %slice3A_45, %dot_general3A_46 {dimension_numbers = #tpu.dot_dimension_numbers<[1], [1], [0], [0], [0, 0, 1, 0], [], []>, transpose_lhs_hint = false} : vector<10000x128xf32>, vector<128x128xf32>, vector<10000x128xf32> -> vector<10000x128xf32>
    %add3A_48 = arith.addf %dot_general3A_44, %dot_general3A_47 : vector<10000x128xf32>
    %get3A_49 = arith.constant 0 : index
    %get3A_50 = arith.constant 0 : index
    %get3A_51 = vector.load %arg6[%get3A_49, %get3A_50] : memref<1x128xf32, #tpu.memory_space<vmem>>, vector<1x128xf32>
    %add3A_52 = vector.broadcast %get3A_51 : vector<1x128xf32> to vector<10000x128xf32>
    %add3A_53 = arith.addf %add3A_48, %add3A_52 : vector<10000x128xf32>
    %swap3A = arith.constant 0 : index
    %swap3A_54 = arith.constant 0 : index
    %swap3A_55 = vector.load %arg7[%swap3A, %swap3A_54] : memref<10000x128xf32, #tpu.memory_space<vmem>>, vector<10000x128xf32>
    tpu.vector_store %arg7[%swap3A, %swap3A_54], %add3A_53 {strides = array<i32>} : memref<10000x128xf32, #tpu.memory_space<vmem>>, vector<10000x128xf32>,
    return
  }
}

module attributes {stable_mosaic.version = 14 : i64} {
  func.func @_tc_hfinal_body(%arg0: memref<2x10240x128xf32, #tpu.memory_space<vmem>>, %arg1: memref<10000x128xf32, #tpu.memory_space<vmem>>, %arg2: memref<128x384xf32, #tpu.memory_space<vmem>>, %arg3: memref<1x128xf32, #tpu.memory_space<vmem>>, %arg4: memref<1x128xf32, #tpu.memory_space<vmem>>, %arg5: memref<10000x128xf32, #tpu.memory_space<vmem>>) attributes {dimension_semantics = [], scalar_prefetch = 0 : i64, scratch_operands = 0 : i64, tpu.core_type = #tpu.core_type<tc>} {
    %get3A = arith.constant 0 : index
    %get3A_0 = arith.constant 0 : index
    %get3A_1 = arith.constant 0 : index
    %get3A_2 = vector.load %arg0[%get3A, %get3A_0, %get3A_1] : memref<2x10240x128xf32, #tpu.memory_space<vmem>>, vector<1x10000x128xf32>
    %get3A_3 = vector.shape_cast %get3A_2 : vector<1x10000x128xf32> to vector<10000x128xf32>
    %get3A_4 = arith.constant 1 : index
    %get3A_5 = arith.constant 0 : index
    %get3A_6 = arith.constant 0 : index
    %get3A_7 = vector.load %arg0[%get3A_4, %get3A_5, %get3A_6] : memref<2x10240x128xf32, #tpu.memory_space<vmem>>, vector<1x10000x128xf32>
    %get3A_8 = vector.shape_cast %get3A_7 : vector<1x10000x128xf32> to vector<10000x128xf32>
    %add3A = arith.addf %get3A_3, %get3A_8 : vector<10000x128xf32>
    %get3A_9 = arith.constant 0 : index
    %get3A_10 = arith.constant 0 : index
    %get3A_11 = vector.load %arg2[%get3A_9, %get3A_10] : memref<128x384xf32, #tpu.memory_space<vmem>>, vector<128x384xf32>
    %slice3A = vector.extract_strided_slice %get3A_11 {offsets = [0, 0], sizes = [128, 128], strides = [1, 1]} : vector<128x384xf32> to vector<128x128xf32>
    %dot_general3A = arith.constant dense<0.000000e+00> : vector<10000x128xf32>
    %dot_general3A_12 = tpu.matmul %add3A, %slice3A, %dot_general3A {dimension_numbers = #tpu.dot_dimension_numbers<[1], [1], [0], [0], [0, 0, 1, 0], [], []>, transpose_lhs_hint = false} : vector<10000x128xf32>, vector<128x128xf32>, vector<10000x128xf32> -> vector<10000x128xf32>
    %get3A_13 = arith.constant 0 : index
    %get3A_14 = arith.constant 0 : index
    %get3A_15 = vector.load %arg1[%get3A_13, %get3A_14] : memref<10000x128xf32, #tpu.memory_space<vmem>>, vector<10000x128xf32>
    %add3A_16 = arith.addf %dot_general3A_12, %get3A_15 : vector<10000x128xf32>
    %get3A_17 = arith.constant 0 : index
    %get3A_18 = arith.constant 0 : index
    %get3A_19 = vector.load %arg3[%get3A_17, %get3A_18] : memref<1x128xf32, #tpu.memory_space<vmem>>, vector<1x128xf32>
    %mul3A = vector.broadcast %get3A_19 : vector<1x128xf32> to vector<10000x128xf32>
    %mul3A_20 = arith.mulf %add3A_16, %mul3A : vector<10000x128xf32>
    %get3A_21 = arith.constant 0 : index
    %get3A_22 = arith.constant 0 : index
    %get3A_23 = vector.load %arg4[%get3A_21, %get3A_22] : memref<1x128xf32, #tpu.memory_space<vmem>>, vector<1x128xf32>
    %add3A_24 = vector.broadcast %get3A_23 : vector<1x128xf32> to vector<10000x128xf32>
    %add3A_25 = arith.addf %mul3A_20, %add3A_24 : vector<10000x128xf32>
    %swap3A = arith.constant 0 : index
    %swap3A_26 = arith.constant 0 : index
    %swap3A_27 = vector.load %arg5[%swap3A, %swap3A_26] : memref<10000x128xf32, #tpu.memory_space<vmem>>, vector<10000x128xf32>
    tpu.vector_store %arg5[%swap3A, %swap3A_26], %add3A_25 {strides = array<i32>} : memref<10000x128xf32, #tpu.memory_space<vmem>>, vector<10000x128xf32>,
    return
  }
}

module attributes {stable_mosaic.version = 14 : i64} {
  func.func @_tc_sum_body(%arg0: memref<2x10240x128xf32, #tpu.memory_space<vmem>>, %arg1: memref<10000x128xf32, #tpu.memory_space<vmem>>) attributes {dimension_semantics = [], scalar_prefetch = 0 : i64, scratch_operands = 0 : i64, tpu.core_type = #tpu.core_type<tc>} {
    %get3A = arith.constant 0 : index
    %get3A_0 = arith.constant 0 : index
    %get3A_1 = arith.constant 0 : index
    %get3A_2 = vector.load %arg0[%get3A, %get3A_0, %get3A_1] : memref<2x10240x128xf32, #tpu.memory_space<vmem>>, vector<1x10000x128xf32>
    %get3A_3 = vector.shape_cast %get3A_2 : vector<1x10000x128xf32> to vector<10000x128xf32>
    %get3A_4 = arith.constant 1 : index
    %get3A_5 = arith.constant 0 : index
    %get3A_6 = arith.constant 0 : index
    %get3A_7 = vector.load %arg0[%get3A_4, %get3A_5, %get3A_6] : memref<2x10240x128xf32, #tpu.memory_space<vmem>>, vector<1x10000x128xf32>
    %get3A_8 = vector.shape_cast %get3A_7 : vector<1x10000x128xf32> to vector<10000x128xf32>
    %add3A = arith.addf %get3A_3, %get3A_8 : vector<10000x128xf32>
    %swap3A = arith.constant 0 : index
    %swap3A_9 = arith.constant 0 : index
    %swap3A_10 = vector.load %arg1[%swap3A, %swap3A_9] : memref<10000x128xf32, #tpu.memory_space<vmem>>, vector<10000x128xf32>
    tpu.vector_store %arg1[%swap3A, %swap3A_9], %add3A {strides = array<i32>} : memref<10000x128xf32, #tpu.memory_space<vmem>>, vector<10000x128xf32>,
    return
  }
}

</mosaic_0001>

<sc_bundles>
// kernel: kernel.11.cloned.1.call-start
scs
__scs_entry_jumppad:
0x0: {  	(pc) =	sbr.rel $0x88, $3  }
0x1: {  	(tag) =	ssettag $0x0;
	lr =	simm.s32 $0x1  }
0x2: {  	[smem:$0x3F94] =	sst lr;
	_ =	strace $0xD0000000  }
0x3: {  	_ = 	snop  }
0x4: {  	_ = 	snop  }
0x5: {  	_ = 	snop  }
0x6: {  	_ = 	snop  }
0x7: {  	_ = 	snop  }
__scs_overlays_trampoline_lowered:
0x8: {  	[smem:$0x3FA3] =	sst s0  }
0x9: {  	[smem:$0x3FA4] =	sst s1  }
0xa: {  	[smem:$0x3FA5] =	sst s2  }
0xb: {  	[smem:$0x3FA6] =	sst s3  }
0xc: {  	[smem:$0x3FA7] =	sst s4  }
0xd: {  	[smem:$0x3FA8] =	sst s5  }
0xe: {  	[smem:$0x3FA9] =	sst s6  }
0xf: {  	[smem:$0x3FAA] =	sst s7  }
0x10: {  	[smem:$0x3FAB] =	sst s8  }
0x11: {  	[smem:$0x3FAC] =	sst s9;
	s0 =	simm.s32 @!p0 $0x0  }
0x12: {  	s1 =	sld [smem:$0x3F92];
	s0 =	simm.s32 @p0 $0x1  }
0x13: {  	[smem:$0x3FAD] =	sst s0;
	s0 =	simm.s32 @!p1 $0x0  }
0x14: {  	s2 =	sld [smem:$0x3F91];
	s0 =	simm.s32 @p1 $0x1  }
0x15: {  	[smem:$0x3FAE] =	sst s0;
	s0 =	simm.s32 @!p2 $0x0  }
0x16: {  	s3 =	sld [smem:$0x3FDB];
	s0 =	simm.s32 @p2 $0x1  }
0x17: {  	s4 =	simm.s32 $0x1BF5;
	[smem:$0x3FB0] =	sst s0  }
0x18: {  	s0 =	sld [smem:$0x3F93];
	_ =	swait.ge [sflag:s4], $0x0  }
0x19: {  	s7 =	sld [smem:$0x3F94]  }
0x1a: {  	s8 =	sadd.s32 $0xFFFFE003, lr  }
0x1b: {  	s9 =	sadd.s32 $0xFFFFFEF7, lr;
	s5 =	simm.s32 $0xFFFFFFFF;
	p2 =	slt.u32 s8, $0xFFFFF086  }
0x1c: {  	p1 =	slt.u32 s9, $0xF7A;
	s5 =	simm.s32 @!p2 $0x0  }
0x1d: {  	s5 =	simm.s32 @p1 $0x1;
	p0 =	seq.s32 s7, s2  }
0x1e: {  	s7 =	smul.u32 @!p0 $0xF7A, s2;
	p2 =	seq.s32 @!p0 s5, $0x0  }
0x1f: {  	s9 =	smul.u32 $0xF7A, s1;
	s8 =	simm.s32 @!p0 $0x1BF5;
	p2 =	por !p2, p0  }
0x20: {  	[sflag:s8] =	ssyncset.s32 @!p0 $0xFFFFF086;
	s6 =	sadd.s32 @!p0 s3, s7;
	s7 =	simm.s32 @!p0 $0x108  }
0x21: {  	s3 =	sadd.s32 s3, s9;
	s6 =	sadd.s32 @!p0 $0x88, s6;
	s7 =	simm.s32 @p2 $0x1082  }
0x22: {  	[simem:s7], [sflag:s8] =	dma.local @!p0 [hbm:s6], $0xF7A  }
0x23: {  	s9 =	sor.u32 $0xD0000000, s2;
	s6 =	simm.s32 $0x108;
	_ =	swait.ge @!p0 [sflag:s8], $0x0  }
0x24: {  	s3 =	sadd.s32 $0x88, s3;
	s6 =	simm.s32 @!p1 $0x1082;
	[sflag:s4] =	ssyncset.s32 $0xFFFFF086  }
0x25: {  	[simem:s6], [sflag:s4] =	dma.local [hbm:s3], $0xF7A  }
0x26: {  	[smem:$0x3F94] =	sst s1;
	(tag) =	ssettag s2;
	_ =	strace s9  }
0x27: {  	s1 =	sld [smem:$0x3FA4]  }
0x28: {  	s2 =	sld [smem:$0x3FA5]  }
0x29: {  	s4 =	sld [smem:$0x3FA7]  }
0x2a: {  	p0 =	seq.s32 s5, $0x0;
	s5 =	sld [smem:$0x3FA8]  }
0x2b: {  	s6 =	sld [smem:$0x3FA9]  }
0x2c: {  	s7 =	sld [smem:$0x3FAA]  }
0x2d: {  	s3 =	simm.s32 $0x108;
	s8 =	sld [smem:$0x3FAB]  }
0x2e: {  	s3 =	simm.s32 @!p0 $0x1082;
	s9 =	sld [smem:$0x3FAC]  }
0x2f: {  	lr =	sadd.s32 s0, s3;
	s0 =	sld [smem:$0x3FA3]  }
0x30: {  	s3 =	sld [smem:$0x3FA6]  }
0x31: {  	[smem:$0x3FAF] =	sst s10  }
0x32: {  	s10 =	sld [smem:$0x3FAD];
	_ =	sdelay $0x3  }
0x33: {  	p0 =	seq.s32 s10, $0x1;
	s10 =	sld [smem:$0x3FAF];
	_ =	sdelay $0x3  }
0x34: {  	[smem:$0x3FAF] =	sst s10  }
0x35: {  	s10 =	sld [smem:$0x3FAE];
	_ =	sdelay $0x3  }
0x36: {  	p1 =	seq.s32 s10, $0x1;
	s10 =	sld [smem:$0x3FAF];
	_ =	sdelay $0x3  }
0x37: {  	[smem:$0x3FAF] =	sst s10  }
0x38: {  	s10 =	sld [smem:$0x3FB0]  }
0x39: {  	_ = 	snop;
	(pc) =	sbr.ind lr, $3  }
0x3a: {  	_ = 	snop  }
0x3b: {  	_ = 	snop  }
0x3c: {  	p2 =	seq.s32 s10, $0x1;
	s10 =	sld [smem:$0x3FAF]  }
0x3d: {  	_ =	shalt  }
0x3e: {  	_ =	shalt  }
0x3f: {  	_ =	shalt  }
0x40: {  	_ =	shalt  }
0x41: {  	_ =	shalt  }
0x42: {  	_ =	shalt  }
0x43: {  	_ =	shalt  }
0x44: {  	_ =	shalt  }
0x45: {  	_ =	shalt  }
0x46: {  	_ =	shalt  }
0x47: {  	_ =	shalt  }
0x48: {  	_ =	shalt  }
0x49: {  	_ =	shalt  }
0x4a: {  	_ =	shalt  }
0x4b: {  	_ =	shalt  }
0x4c: {  	_ =	shalt  }
0x4d: {  	_ =	shalt  }
0x4e: {  	_ =	shalt  }
0x4f: {  	_ =	shalt  }
0x50: {  	_ =	shalt  }
0x51: {  	_ =	shalt  }
0x52: {  	_ =	shalt  }
0x53: {  	_ =	shalt  }
0x54: {  	_ =	shalt  }
0x55: {  	_ =	shalt  }
0x56: {  	_ =	shalt  }
0x57: {  	_ =	shalt  }
0x58: {  	_ =	shalt  }
0x59: {  	_ =	shalt  }
0x5a: {  	_ =	shalt  }
0x5b: {  	_ =	shalt  }
0x5c: {  	_ =	shalt  }
0x5d: {  	_ =	shalt  }
0x5e: {  	_ =	shalt  }
0x5f: {  	_ =	shalt  }
0x60: {  	_ =	shalt  }
0x61: {  	_ =	shalt  }
0x62: {  	_ =	shalt  }
0x63: {  	_ =	shalt  }
0x64: {  	_ =	shalt  }
0x65: {  	_ =	shalt  }
0x66: {  	_ =	shalt  }
0x67: {  	_ =	shalt  }
0x68: {  	_ =	shalt  }
0x69: {  	_ =	shalt  }
0x6a: {  	_ =	shalt  }
0x6b: {  	_ =	shalt  }
0x6c: {  	_ =	shalt  }
0x6d: {  	_ =	shalt  }
0x6e: {  	_ =	shalt  }
0x6f: {  	_ =	shalt  }
0x70: {  	_ =	shalt  }
0x71: {  	_ =	shalt  }
0x72: {  	_ =	shalt  }
0x73: {  	_ =	shalt  }
0x74: {  	_ =	shalt  }
0x75: {  	_ =	shalt  }
0x76: {  	_ =	shalt  }
0x77: {  	_ =	shalt  }
0x78: {  	_ =	shalt  }
0x79: {  	_ =	shalt  }
0x7a: {  	_ =	shalt  }
0x7b: {  	_ =	shalt  }
0x7c: {  	_ =	shalt  }
0x7d: {  	_ =	shalt  }
0x7e: {  	_ =	shalt  }
0x7f: {  	_ =	shalt  }
0x80: {  	_ =	shalt  }
0x81: {  	_ =	shalt  }
0x82: {  	_ =	shalt  }
0x83: {  	_ =	shalt  }
0x84: {  	_ =	shalt  }
0x85: {  	_ =	shalt  }
0x86: {  	_ =	shalt  }
0x87: {  	_ =	shalt  }
.Lfunc_end0:
.L_simem_size_0:
called_computation.1_lowered:
.L_overlay_start_0:
0x88: {  	s2 =	sld [smem:$0x3FD9]  }
0x89: {  	s3 =	sld [smem:$0x3FFE];
	_ =	sdelay $0x1  }
0x8a: {  	s1 =	srdreg.scid  }
0x8b: {  	s0 =	sand.u32 $0x1, s1  }
0x8c: {  	s14 =	sshll.u32 s0, $0xA;
	s2 =	sadd.s32 s3, s2  }
0x8d: {  	s2 =	sadd.s32 s2, s14  }
0x8e: {  	[smem:$0x3FBB] =	sst s2  }
0x8f: {  	_ = 	snop  }
0x90: {  	s2 =	sld [smem:$0x3FD0];
	_ =	sdelay $0x2  }
0x91: {  	s15 =	simm.s32 $0xA;
	s4 =	simm.s32 $0x10  }
0x92: {  	[smem:s4], [sflag:s15] =	dma.local [hbm:s2], $0x1  }
0x93: {  	_ =	swait.eq [sflag:s15], $0x1  }
0x94: {  	[sflag:s15] =	ssyncset.done $0x0  }
0x95: {  	[sflag:s15] =	ssyncadd.s32 $0xFFFFFFFF  }
0x96: {  	s16 =	sld [smem:$0x11];
	(tm) =	ssettm $0x1  }
0x97: {  	s17 =	sld [smem:$0x3FFB];
	_ =	sdelay $0x3  }
0x98: {  	_ =	strace s17  }
0x99: {  	s3 =	sld [smem:$0x3FFC];
	_ =	sdelay $0x3  }
0x9a: {  	_ =	strace s3  }
0x9b: {  	s3 =	sld [smem:$0x3FFD];
	_ =	sdelay $0x3  }
0x9c: {  	_ =	strace s3  }
0x9d: {  	_ =	strace $0x8FFFFFFF  }
0x9e: {  	s18 =	sld [smem:$0x3FDB];
	_ =	sdelay $0x1  }
0x9f: {  	s19 =	simm.s32 $_scs_section_size  }
0xa0: {  	s5 =	simm.s32 $_size__tile_overlayer_lowered;
	s6 =	simm.s32 $_tile_overlayer_lowered  }
0xa1: {  	s22 =	simm.s32 $0x1BFF;
	s21 =	sshll.u32 s6, $0x1;
	s3 =	sadd.s32 s19, s18  }
0xa2: {  	s7 =	simm.s32 $0x0;
	s20 =	sshll.u32 s5, $0x1;
	s5 =	sadd.s32 s21, s3  }
0xa3: {  	[timem:s7], [sflag:s22] =	dma.local [hbm:s5], s20  }
0xa4: {  	_ =	swait.ge [sflag:s22], s20  }
0xa5: {  	s4 =	ssub.s32 $0x0, s20;
	[sflag:s22] =	ssyncset.done $0x0  }
0xa6: {  	[sflag:s22] =	ssyncadd.s32 s4;
	_ =	sdelay $0x1  }
0xa7: {  	s23 =	simm.s32 $0x1B8B  }
0xa8: {  	_ =	swait.ge [sflag:s23], $0x1  }
0xa9: {  	[sflag:s23] =	ssyncset.done $0x0  }
0xaa: {  	s25 =	simm.s32 $0x1B8E;
	s24 =	sld [smem:$0x3FFE];
	[sflag:s23] =	ssyncadd.s32 $0xFFFFFFFF  }
0xab: {  	s26 =	simm.s32 $execute0_lowered;
	[smem:$0x3FD2] =	sst s25  }
0xac: {  	s5 =	sshll.u32 s26, $0x1;
	_ =	strace $0x80000049;
	[dreg:$0x1] =	wrdreg $0xFFFFFFFF  }
0xad: {  	s28 =	simm.s32 $_size_execute0_lowered;
	s3 =	sadd.s32 s3, s5;
	[dreg:$0x0] =	wrdreg $0x0  }
0xae: {  	s5 =	sshll.u32 s28, $0x1;
	[dreg:$0x2] =	wrdreg s3  }
0xaf: {  	[dreg:$0x3] =	wrdreg s5  }
0xb0: {  	[dreg:$0x4] =	wrdreg $0xC0  }
0xb1: {  	_ =	task [dreg:s7], $0x5FFFF  }
0xb2: {  	[dreg:$0x1] =	wrdreg $0xFFFFFFFF  }
0xb3: {  	[dreg:$0x0] =	wrdreg $0x60  }
0xb4: {  	[dreg:$0x2] =	wrdreg s16  }
0xb5: {  	[dreg:$0x3] =	wrdreg s24  }
0xb6: {  	[dreg:$0x4] =	wrdreg $0xA8000  }
0xb7: {  	[dreg:$0x5] =	wrdreg $0x9  }
0xb8: {  	_ =	task.clear_ibuf [dreg:s7], $0x6FFFF;
	_ =	strace $0x90000049  }
0xb9: {  	s29 =	simm.s32 $0x9;
	_ =	strace $0x8000004B  }
0xba: {  	_ =	swait.ge [sflag:s29], $0x1  }
0xbb: {  	[sflag:s29] =	ssyncadd.s32 $0xFFFFFFFF  }
0xbc: {  	_ =	strace $0x9000004B  }
0xbd: {  	_ =	sfence  }
0xbe: {  	s30 =	sld [smem:$0x0];
	_ =	sdelay $0x2  }
0xbf: {  	s31 =	sshll.u32 s1, $0xD;
	s1 =	sshrl.u32 s1, $0x2  }
0xc0: {  	s3 =	sand.u32 $0x4000, s31;
	s1 =	sadd.s32 s1, s30  }
0xc1: {  	s0 =	sor.u32 s3, s0;
	s1 =	sshll.u32 s1, $0x11  }
0xc2: {  	s0 =	sor.u32 s1, s0  }
0xc3: {  	s0 =	sadd.s32 $0x8F2B, s0  }
0xc4: {  	[sflag:s0] =	ssyncadd.remote.s32 $0x1  }
0xc5: {  	_ =	sfence.sel $0xFFFF  }
0xc6: {  	[dreg:$0x0] =	wrdreg $0xFFFFFFFF;
	(pc) =	sbr.abs _section_cstart, $3  }
0xc7: {  	[dreg:$0x1] =	wrdreg $0xFFFFFFFF  }
0xc8: {  	_ =	task.clear_ibuf [dreg:s7], $0x2FFFF;
	_ =	strace $0x9FFFFFFF  }
0xc9: {  	(tm) =	ssettm $0x7FFFFFFF  }
tec
execute0_lowered:
.L_overlay_start_1:
0x0: {  	(tag) =	ssettag $0x1  }
0x1: {  	s1 =	rddreg [dreg:$0x0]  }
0x2: {  	s5 =	rddreg [dreg:$0x1]  }
0x3: {  	s3 =	rddreg [dreg:$0x2]  }
0x4: {  	s0 =	rddreg [dreg:$0x3];
	s4 =	simm.s32 $0x0;
	s2 =	stileid.u32  }
0x5: {  	s6 =	srdreg.scid;
	s16 =	simm.s32 $0x80;
	s17 =	simm.s32 $0x2  }
0x6: {  	s18 =	simm.s32 $0x2780;
	s19 =	simm.s32 $0x6800;
	s7 =	smul.u32 $0x14000, s2  }
0x7: {  	s20 =	simm.s32 $0x1;
	s21 =	simm.s32 $0x0;
	s11 =	smul.u32 $0x50000, s2  }
0x8: {  	[smem:$0x7FF] =	sst s4;
	s6 =	sand.u32 $0x1, s6;
	s13 =	smul.u32 $0x2800, s2  }
0x9: {  	s9 =	sadd.s32 $0x2600, s5;
	s10 =	sadd.s32 $0xC600, s5;
	s8 =	smul.u32 $0x140000, s6  }
0xa: {  	s30 =	sshll.u32 s2, $0x6;
	s24 =	smul.u32 $0x28000, s6;
	s6 =	ssub.s32 $0x2, s6  }
0xb: {  	_ =	strace $0x8000004A;
	s12 =	sshrl.u32 s7, $0x3;
	s25 =	sshrl.u32 s6, $0x1  }
0xc: {  	s26 =	sshrl.u32 s11, $0x2;
	s7 =	sadd.s32 s7, s8;
	s12 =	sadd.s32 s12, s5  }
0xd: {  	s15 =	ssub.s32 s6, s25;
	s28 =	sadd.s32 s13, s24;
	s29 =	sadd.s32 s26, s3  }
0xe: {  	s6 =	sor.u32 $0x1C03, s30;
	s7 =	sshrl.u32 s7, $0x3;
	s8 =	sshrl.u32 s28, $0x3  }
0xf: {  	s13 =	sshrl.u32 s29, $0x3;
	s14 =	sadd.s32 s7, s5;
	s5 =	sadd.s32 $0x16600, s12  }
0x10: {  	s31 =	sadd.s32 $0x280, s8;
	s7 =	sadd.s32 s9, s8;
	s8 =	sadd.s32 s10, s8  }
0x11: {  	s12 =	smax.u32 s15, $0x1;
	s15 =	simm.s32 $0x2800;
	s9 =	sadd.s32 s9, s31  }
0x12: {  	s10 =	sadd.s32 s10, s31;
	s11 =	sadd.s32 $0x3E600, s14;
	s14 =	simm.s32 $0x3  }
.LBB2_1:
0x13: {  	[spmem:s13], [sflag:s6] =	dma.local [hbm:s5], $0x2800  }
0x14: {  	_ =	swait.ge [sflag:s14], $0x2800  }
0x15: {  	[sflag:s14] =	ssyncset.done $0x0  }
0x16: {  	[sflag:s14] =	ssyncadd.s32 $0xFFFFD800  }
0x17: {  	[bflag:$0x0] =	sbarrier.arrive $0xFFFF  }
0x18: {  	[bflag:$0x0] =	sbarrier.arrive $0xFFFF  }
0x19: {  	[tilespmem:s4], [sflag:$0x3] =	stream.linear.gather [hbm4b:s7+s4], $0x1400, $0x38;
	[tilespmem:$0x1E800] =	vst v63  }
0x1a: {  	_ =	swait.ge [sflag:s14], $0x1400  }
0x1b: {  	[sflag:s14] =	ssyncset.done $0x0  }
0x1c: {  	s22 =	simm.s32 $0x1400;
	[sflag:s14] =	ssyncadd.s32 $0xFFFFEC00  }
0x1d: {  	[tilespmem:s22], [sflag:$0x3] =	stream.linear.gather [hbm4b:s8+s4], $0x1400, $0x38;
	[tilespmem:$0x1E800] =	vst v63  }
0x1e: {  	s23 =	sand.u32 $0x1, s4;
	_ =	swait.ge [sflag:s14], $0x1400  }
0x1f: {  	s24 =	sxor.u32 $0x1, s23;
	[sflag:s14] =	ssyncset.done $0x0  }
0x20: {  	s25 =	sshll.u32 s24, $0xE;
	[sflag:s14] =	ssyncadd.s32 $0xFFFFEC00  }
0x21: {  	[tilespmem:s15], [sflag:$0x1] =	stream.indirect.gather [hbm4b:s1+s16], $0x80, s4, s16, $0xb8;
	[tilespmem:$0x1E800] =	vst v63  }
0x22: {  	s28 =	sadd.s32 $0x1, s23;
	s24 =	sadd.s32 $0x1, s24;
	s25 =	sor.u32 $0x2800, s25  }
0x23: {  	[tilespmem:s25], [sflag:s24] =	stream.indirect.gather [hbm4b:s1+s16], $0x80, s16, s16, $0xb8;
	[tilespmem:$0x1E800] =	vst v63  }
0x24: {  	s30 =	simm.s32 $0x1;
	_ =	swait.ge [sflag:s28], $0x4000  }
0x25: {  	s26 =	simm.s32 $0x2;
	s23 =	sshll.u32 s23, $0xE;
	[sflag:s28] =	ssyncset.done $0x0  }
0x26: {  	s31 =	sor.u32 $0x2800, s23;
	s25 =	sand.u32 $0x1, s30;
	[sflag:s28] =	ssyncadd.s32 $0xFFFFC000  }
0x27: {  	[spmem:s3] =	stream.indirect.scatter.add.f32 [tilespmem:s31], [sflag:$0x3], $0x80, s22, s16, $0xb8;
	[tilespmem:$0x1E800] =	vst v63  }
0x28: {  	s23 =	simm.s32 $0x100;
	s24 =	sshll.u32 s25, $0xE;
	_ =	swait.ge [sflag:s14], $0x4000  }
0x29: {  	s28 =	sxor.u32 $0x1, s25;
	s22 =	simm.s32 $0x1480;
	[sflag:s14] =	ssyncset.done $0x0  }
.LBB2_2:
0x2a: {  	s29 =	sshll.u32 s28, $0xE  }
0x2b: {  	[sflag:s14] =	ssyncadd.s32 $0xFFFFC000;
	s30 =	smov.u32 s26;
	s31 =	sadd.s32 $0x1, s26  }
0x2c: {  	s28 =	sadd.s32 $0x1, s28;
	s25 =	sadd.s32 $0x1, s25;
	s29 =	sor.u32 $0x2800, s29  }
0x2d: {  	[tilespmem:s29], [sflag:s28] =	stream.indirect.gather [hbm4b:s1+s16], $0x80, s23, s16, $0xb8;
	[tilespmem:$0x1E800] =	vst v63  }
0x2e: {  	p0 =	sne.s32 s26, $0x26;
	_ =	swait.ge [sflag:s25], $0x4000  }
.Ltmp0:
0x2f: {  	s24 =	sor.u32 $0x2800, s24;
	[sflag:s25] =	ssyncset.done $0x0;
	(pc) =	sbr.rel @p0 .LBB2_2-.Ltmp0, $4  }
0x30: {  	s26 =	smov.u32 s31;
	s23 =	sadd.s32 $0x80, s23;
	[sflag:s25] =	ssyncadd.s32 $0xFFFFC000  }
0x31: {  	[spmem:s3] =	stream.indirect.scatter.add.f32 [tilespmem:s24], [sflag:$0x3], $0x80, s22, s16, $0xb8;
	[tilespmem:$0x1E800] =	vst v63  }
0x32: {  	s25 =	sand.u32 $0x1, s30;
	s22 =	sadd.s32 $0x80, s22;
	_ =	swait.ge [sflag:s14], $0x4000  }
0x33: {  	s28 =	sxor.u32 $0x1, s25;
	s24 =	sshll.u32 s25, $0xE;
	[sflag:s14] =	ssyncset.done $0x0  }
0x34: {  	s26 =	sshll.u32 s28, $0xE;
	[sflag:s14] =	ssyncadd.s32 $0xFFFFC000  }
0x35: {  	s28 =	sadd.s32 $0x1, s28;
	s25 =	sadd.s32 $0x1, s25;
	s26 =	sor.u32 $0x2800, s26  }
0x36: {  	[tilespmem:s26], [sflag:s28] =	stream.indirect.gather [hbm4b:s1+s16], $0x80, s23, s16, $0xb8;
	[tilespmem:$0x1E800] =	vst v63  }
0x37: {  	_ =	swait.ge [sflag:s25], $0x4000  }
0x38: {  	[sflag:s25] =	ssyncset.done $0x0  }
0x39: {  	s29 =	sor.u32 $0x2800, s24;
	[sflag:s25] =	ssyncadd.s32 $0xFFFFC000  }
0x3a: {  	[spmem:s3] =	stream.indirect.scatter.add.f32 [tilespmem:s29], [sflag:$0x3], $0x80, s22, s16, $0xb8;
	[tilespmem:$0x1E800] =	vst v63  }
0x3b: {  	_ =	swait.ge [sflag:s14], $0x4000  }
0x3c: {  	[sflag:s14] =	ssyncset.done $0x0  }
0x3d: {  	s30 =	simm.s32 $0x0;
	s22 =	simm.s32 $0x80;
	[sflag:s14] =	ssyncadd.s32 $0xFFFFC000  }
0x3e: {  	[tilespmem:s15], [sflag:$0x1] =	stream.indirect.gather [hbm4b:s1+s22], $0x80, s30, s22, $0xb8;
	[tilespmem:$0x1E800] =	vst v63  }
0x3f: {  	_ =	swait.ge [sflag:s17], $0x4000  }
0x40: {  	[sflag:s17] =	ssyncset.done $0x0  }
0x41: {  	[sflag:s17] =	ssyncadd.s32 $0xFFFFC000  }
0x42: {  	[spmem:s3] =	stream.indirect.scatter.add.f32 [tilespmem:s19], [sflag:$0x3], $0x80, s18, s22, $0xb8;
	[tilespmem:$0x1E800] =	vst v63  }
0x43: {  	_ =	swait.ge [sflag:s14], $0x4000  }
0x44: {  	[sflag:s14] =	ssyncset.done $0x0  }
0x45: {  	[sflag:s14] =	ssyncadd.s32 $0xFFFFC000  }
0x46: {  	_ =	swait.ge [sflag:s20], $0x4000  }
0x47: {  	[sflag:s20] =	ssyncset.done $0x0  }
0x48: {  	[sflag:s20] =	ssyncadd.s32 $0xFFFFC000  }
0x49: {  	[tilespmem:s30], [sflag:$0x3] =	stream.linear.gather [hbm4b:s9+s30], $0x1400, $0x38;
	[tilespmem:$0x1E800] =	vst v63  }
0x4a: {  	_ =	swait.ge [sflag:s14], $0x1400  }
0x4b: {  	[sflag:s14] =	ssyncset.done $0x0  }
0x4c: {  	s24 =	simm.s32 $0x1400;
	[sflag:s14] =	ssyncadd.s32 $0xFFFFEC00  }
0x4d: {  	[tilespmem:s24], [sflag:$0x3] =	stream.linear.gather [hbm4b:s10+s30], $0x1400, $0x38;
	[tilespmem:$0x1E800] =	vst v63  }
0x4e: {  	s23 =	sand.u32 $0x1, s30;
	_ =	swait.ge [sflag:s14], $0x1400  }
0x4f: {  	s31 =	sxor.u32 $0x1, s23;
	[sflag:s14] =	ssyncset.done $0x0  }
0x50: {  	s29 =	sshll.u32 s31, $0xE;
	[sflag:s14] =	ssyncadd.s32 $0xFFFFEC00  }
0x51: {  	[tilespmem:s15], [sflag:$0x1] =	stream.indirect.gather [hbm4b:s1+s22], $0x80, s30, s22, $0xb8;
	[tilespmem:$0x1E800] =	vst v63  }
0x52: {  	s28 =	sadd.s32 $0x1, s23;
	s25 =	sadd.s32 $0x1, s31;
	s26 =	sor.u32 $0x2800, s29  }
0x53: {  	[tilespmem:s26], [sflag:s25] =	stream.indirect.gather [hbm4b:s1+s16], $0x80, s22, s16, $0xb8;
	[tilespmem:$0x1E800] =	vst v63  }
0x54: {  	s23 =	sshll.u32 s23, $0xE;
	_ =	swait.ge [sflag:s28], $0x4000  }
0x55: {  	s31 =	sor.u32 $0x2800, s23;
	s23 =	simm.s32 $0x100;
	[sflag:s28] =	ssyncset.done $0x0  }
0x56: {  	s30 =	simm.s32 $0x1;
	s26 =	simm.s32 $0x2;
	[sflag:s28] =	ssyncadd.s32 $0xFFFFC000  }
0x57: {  	[spmem:s3] =	stream.indirect.scatter.add.f32 [tilespmem:s31], [sflag:$0x3], $0x80, s24, s16, $0xb8;
	[tilespmem:$0x1E800] =	vst v63  }
0x58: {  	s25 =	sand.u32 $0x1, s30;
	s22 =	simm.s32 $0x1480;
	_ =	swait.ge [sflag:s14], $0x4000  }
0x59: {  	s28 =	sxor.u32 $0x1, s25;
	s24 =	sshll.u32 s25, $0xE;
	[sflag:s14] =	ssyncset.done $0x0  }
.LBB2_4:
0x5a: {  	s29 =	sshll.u32 s28, $0xE  }
0x5b: {  	[sflag:s14] =	ssyncadd.s32 $0xFFFFC000;
	s30 =	smov.u32 s26;
	s31 =	sadd.s32 $0x1, s26  }
0x5c: {  	s28 =	sadd.s32 $0x1, s28;
	s25 =	sadd.s32 $0x1, s25;
	s29 =	sor.u32 $0x2800, s29  }
0x5d: {  	[tilespmem:s29], [sflag:s28] =	stream.indirect.gather [hbm4b:s1+s16], $0x80, s23, s16, $0xb8;
	[tilespmem:$0x1E800] =	vst v63  }
0x5e: {  	p0 =	sne.s32 s26, $0x26;
	_ =	swait.ge [sflag:s25], $0x4000  }
.Ltmp1:
0x5f: {  	s24 =	sor.u32 $0x2800, s24;
	[sflag:s25] =	ssyncset.done $0x0;
	(pc) =	sbr.rel @p0 .LBB2_4-.Ltmp1, $4  }
0x60: {  	s26 =	smov.u32 s31;
	s23 =	sadd.s32 $0x80, s23;
	[sflag:s25] =	ssyncadd.s32 $0xFFFFC000  }
0x61: {  	[spmem:s3] =	stream.indirect.scatter.add.f32 [tilespmem:s24], [sflag:$0x3], $0x80, s22, s16, $0xb8;
	[tilespmem:$0x1E800] =	vst v63  }
0x62: {  	s25 =	sand.u32 $0x1, s30;
	s22 =	sadd.s32 $0x80, s22;
	_ =	swait.ge [sflag:s14], $0x4000  }
0x63: {  	s28 =	sxor.u32 $0x1, s25;
	s24 =	sshll.u32 s25, $0xE;
	[sflag:s14] =	ssyncset.done $0x0  }
0x64: {  	s26 =	sshll.u32 s28, $0xE;
	[sflag:s14] =	ssyncadd.s32 $0xFFFFC000  }
0x65: {  	s30 =	sadd.s32 $0x1, s28;
	s25 =	sadd.s32 $0x1, s25;
	s26 =	sor.u32 $0x2800, s26  }
0x66: {  	[tilespmem:s26], [sflag:s30] =	stream.indirect.gather [hbm4b:s1+s16], $0x80, s23, s16, $0xb8;
	[tilespmem:$0x1E800] =	vst v63  }
0x67: {  	_ =	swait.ge [sflag:s25], $0x4000  }
0x68: {  	[sflag:s25] =	ssyncset.done $0x0  }
0x69: {  	s31 =	sor.u32 $0x2800, s24;
	[sflag:s25] =	ssyncadd.s32 $0xFFFFC000  }
0x6a: {  	[spmem:s3] =	stream.indirect.scatter.add.f32 [tilespmem:s31], [sflag:$0x3], $0x80, s22, s16, $0xb8;
	[tilespmem:$0x1E800] =	vst v63  }
0x6b: {  	_ =	swait.ge [sflag:s14], $0x4000  }
0x6c: {  	[sflag:s14] =	ssyncset.done $0x0  }
0x6d: {  	[sflag:s14] =	ssyncadd.s32 $0xFFFFC000  }
0x6e: {  	[tilespmem:s15], [sflag:$0x1] =	stream.indirect.gather [hbm4b:s1+s16], $0x80, s4, s16, $0xb8;
	[tilespmem:$0x1E800] =	vst v63  }
0x6f: {  	_ =	swait.ge [sflag:s17], $0x4000  }
0x70: {  	[sflag:s17] =	ssyncset.done $0x0  }
0x71: {  	[sflag:s17] =	ssyncadd.s32 $0xFFFFC000  }
0x72: {  	[spmem:s3] =	stream.indirect.scatter.add.f32 [tilespmem:s19], [sflag:$0x3], $0x80, s18, s16, $0xb8;
	[tilespmem:$0x1E800] =	vst v63  }
0x73: {  	_ =	swait.ge [sflag:s14], $0x4000  }
0x74: {  	[sflag:s14] =	ssyncset.done $0x0  }
0x75: {  	[sflag:s14] =	ssyncadd.s32 $0xFFFFC000  }
0x76: {  	_ =	swait.ge [sflag:s20], $0x4000  }
0x77: {  	s21 =	sadd.s32 $0x1, s21;
	[sflag:s20] =	ssyncset.done $0x0  }
0x78: {  	p0 =	sne.s32 s21, s12;
	[sflag:s20] =	ssyncadd.s32 $0xFFFFC000  }
.Ltmp2:
0x79: {  	[bflag:$0x0] =	sbarrier.arrive $0xFFFF;
	(pc) =	sbr.rel @p0 .LBB2_1-.Ltmp2, $4  }
0x7a: {  	[hbm:s11], [sflag:s6] =	dma.local [spmem:s13], $0x2800  }
0x7b: {  	_ =	swait.ge [sflag:s14], $0x2800  }
0x7c: {  	[sflag:s14] =	ssyncset.done $0x0  }
0x7d: {  	[sflag:s14] =	ssyncadd.s32 $0xFFFFD800  }
0x7e: {  	_ =	sfence.sel $0x180000  }
0x7f: {  	[bflag:$0x0] =	sbarrier.arrive $0xFFFF  }
0x80: {  	p0 =	sne.s32 s2, $0x0;
	_ =	strace $0x9000004A  }
0x81: {  	s0 =	sadd.s32 @!p0 $0x100000, s0;
	[bflag:$0x2] =	sbarrier.arrive $0xFFFF  }
0x82: {  	[sflag:s0] =	ssyncadd.tile.s32 @!p0 $0x1;
	_ =	shalt  }
.Lfunc_end2:
_tile_overlayer_lowered:
.L_overlay_start_2:
0x83: {  	(tag) =	ssettag $0x2  }
0x84: {  	s0 =	rddreg [dreg:$0x0];
	s2 =	stileid.u32  }
0x85: {  	s1 =	rddreg [dreg:$0x1];
	p0 =	sne.s32 s2, $0x0  }
0x86: {  	s3 =	rddreg [dreg:$0x2];
	[bflag:$0x3] =	sbarrier.arrive $0xFFFF;
	s2 =	simm.s32 @!p0 $0x1C03  }
0x87: {  	[timem:s3], [sflag:s2] =	dma.local @!p0 [hbm:s0], s1  }
0x88: {  	s0 =	simm.s32 @!p0 $0x3  }
0x89: {  	_ =	swait.ge @!p0 [sflag:s0], s1  }
0x8a: {  	s1 =	ssub.s32 @!p0 $0x0, s1;
	[sflag:s0] =	ssyncset.done @!p0 $0x0  }
0x8b: {  	[sflag:s0] =	ssyncadd.s32 @!p0 s1  }
0x8c: {  	[bflag:$0x3] =	sbarrier.arrive $0xFFFF  }
0x8d: {  	_ =	shalt  }

// kernel: kernel.8.cloned.1.call-start
scs
__scs_entry_jumppad:
0x0: {  	(pc) =	sbr.rel $0x88, $3  }
0x1: {  	(tag) =	ssettag $0x0;
	lr =	simm.s32 $0x1  }
0x2: {  	[smem:$0x3F94] =	sst lr;
	_ =	strace $0xD0000000  }
0x3: {  	_ = 	snop  }
0x4: {  	_ = 	snop  }
0x5: {  	_ = 	snop  }
0x6: {  	_ = 	snop  }
0x7: {  	_ = 	snop  }
__scs_overlays_trampoline_lowered:
0x8: {  	[smem:$0x3FA3] =	sst s0  }
0x9: {  	[smem:$0x3FA4] =	sst s1  }
0xa: {  	[smem:$0x3FA5] =	sst s2  }
0xb: {  	[smem:$0x3FA6] =	sst s3  }
0xc: {  	[smem:$0x3FA7] =	sst s4  }
0xd: {  	[smem:$0x3FA8] =	sst s5  }
0xe: {  	[smem:$0x3FA9] =	sst s6  }
0xf: {  	[smem:$0x3FAA] =	sst s7  }
0x10: {  	[smem:$0x3FAB] =	sst s8  }
0x11: {  	[smem:$0x3FAC] =	sst s9;
	s0 =	simm.s32 @!p0 $0x0  }
0x12: {  	s1 =	sld [smem:$0x3F92];
	s0 =	simm.s32 @p0 $0x1  }
0x13: {  	[smem:$0x3FAD] =	sst s0;
	s0 =	simm.s32 @!p1 $0x0  }
0x14: {  	s2 =	sld [smem:$0x3F91];
	s0 =	simm.s32 @p1 $0x1  }
0x15: {  	[smem:$0x3FAE] =	sst s0;
	s0 =	simm.s32 @!p2 $0x0  }
0x16: {  	s3 =	sld [smem:$0x3FDB];
	s0 =	simm.s32 @p2 $0x1  }
0x17: {  	s4 =	simm.s32 $0x1BF5;
	[smem:$0x3FB0] =	sst s0  }
0x18: {  	s0 =	sld [smem:$0x3F93];
	_ =	swait.ge [sflag:s4], $0x0  }
0x19: {  	s7 =	sld [smem:$0x3F94]  }
0x1a: {  	s8 =	sadd.s32 $0xFFFFE003, lr  }
0x1b: {  	s9 =	sadd.s32 $0xFFFFFEF7, lr;
	s5 =	simm.s32 $0xFFFFFFFF;
	p2 =	slt.u32 s8, $0xFFFFF086  }
0x1c: {  	p1 =	slt.u32 s9, $0xF7A;
	s5 =	simm.s32 @!p2 $0x0  }
0x1d: {  	s5 =	simm.s32 @p1 $0x1;
	p0 =	seq.s32 s7, s2  }
0x1e: {  	s7 =	smul.u32 @!p0 $0xF7A, s2;
	p2 =	seq.s32 @!p0 s5, $0x0  }
0x1f: {  	s9 =	smul.u32 $0xF7A, s1;
	s8 =	simm.s32 @!p0 $0x1BF5;
	p2 =	por !p2, p0  }
0x20: {  	[sflag:s8] =	ssyncset.s32 @!p0 $0xFFFFF086;
	s6 =	sadd.s32 @!p0 s3, s7;
	s7 =	simm.s32 @!p0 $0x108  }
0x21: {  	s3 =	sadd.s32 s3, s9;
	s6 =	sadd.s32 @!p0 $0x88, s6;
	s7 =	simm.s32 @p2 $0x1082  }
0x22: {  	[simem:s7], [sflag:s8] =	dma.local @!p0 [hbm:s6], $0xF7A  }
0x23: {  	s9 =	sor.u32 $0xD0000000, s2;
	s6 =	simm.s32 $0x108;
	_ =	swait.ge @!p0 [sflag:s8], $0x0  }
0x24: {  	s3 =	sadd.s32 $0x88, s3;
	s6 =	simm.s32 @!p1 $0x1082;
	[sflag:s4] =	ssyncset.s32 $0xFFFFF086  }
0x25: {  	[simem:s6], [sflag:s4] =	dma.local [hbm:s3], $0xF7A  }
0x26: {  	[smem:$0x3F94] =	sst s1;
	(tag) =	ssettag s2;
	_ =	strace s9  }
0x27: {  	s1 =	sld [smem:$0x3FA4]  }
0x28: {  	s2 =	sld [smem:$0x3FA5]  }
0x29: {  	s4 =	sld [smem:$0x3FA7]  }
0x2a: {  	p0 =	seq.s32 s5, $0x0;
	s5 =	sld [smem:$0x3FA8]  }
0x2b: {  	s6 =	sld [smem:$0x3FA9]  }
0x2c: {  	s7 =	sld [smem:$0x3FAA]  }
0x2d: {  	s3 =	simm.s32 $0x108;
	s8 =	sld [smem:$0x3FAB]  }
0x2e: {  	s3 =	simm.s32 @!p0 $0x1082;
	s9 =	sld [smem:$0x3FAC]  }
0x2f: {  	lr =	sadd.s32 s0, s3;
	s0 =	sld [smem:$0x3FA3]  }
0x30: {  	s3 =	sld [smem:$0x3FA6]  }
0x31: {  	[smem:$0x3FAF] =	sst s10  }
0x32: {  	s10 =	sld [smem:$0x3FAD];
	_ =	sdelay $0x3  }
0x33: {  	p0 =	seq.s32 s10, $0x1;
	s10 =	sld [smem:$0x3FAF];
	_ =	sdelay $0x3  }
0x34: {  	[smem:$0x3FAF] =	sst s10  }
0x35: {  	s10 =	sld [smem:$0x3FAE];
	_ =	sdelay $0x3  }
0x36: {  	p1 =	seq.s32 s10, $0x1;
	s10 =	sld [smem:$0x3FAF];
	_ =	sdelay $0x3  }
0x37: {  	[smem:$0x3FAF] =	sst s10  }
0x38: {  	s10 =	sld [smem:$0x3FB0]  }
0x39: {  	_ = 	snop;
	(pc) =	sbr.ind lr, $3  }
0x3a: {  	_ = 	snop  }
0x3b: {  	_ = 	snop  }
0x3c: {  	p2 =	seq.s32 s10, $0x1;
	s10 =	sld [smem:$0x3FAF]  }
0x3d: {  	_ =	shalt  }
0x3e: {  	_ =	shalt  }
0x3f: {  	_ =	shalt  }
0x40: {  	_ =	shalt  }
0x41: {  	_ =	shalt  }
0x42: {  	_ =	shalt  }
0x43: {  	_ =	shalt  }
0x44: {  	_ =	shalt  }
0x45: {  	_ =	shalt  }
0x46: {  	_ =	shalt  }
0x47: {  	_ =	shalt  }
0x48: {  	_ =	shalt  }
0x49: {  	_ =	shalt  }
0x4a: {  	_ =	shalt  }
0x4b: {  	_ =	shalt  }
0x4c: {  	_ =	shalt  }
0x4d: {  	_ =	shalt  }
0x4e: {  	_ =	shalt  }
0x4f: {  	_ =	shalt  }
0x50: {  	_ =	shalt  }
0x51: {  	_ =	shalt  }
0x52: {  	_ =	shalt  }
0x53: {  	_ =	shalt  }
0x54: {  	_ =	shalt  }
0x55: {  	_ =	shalt  }
0x56: {  	_ =	shalt  }
0x57: {  	_ =	shalt  }
0x58: {  	_ =	shalt  }
0x59: {  	_ =	shalt  }
0x5a: {  	_ =	shalt  }
0x5b: {  	_ =	shalt  }
0x5c: {  	_ =	shalt  }
0x5d: {  	_ =	shalt  }
0x5e: {  	_ =	shalt  }
0x5f: {  	_ =	shalt  }
0x60: {  	_ =	shalt  }
0x61: {  	_ =	shalt  }
0x62: {  	_ =	shalt  }
0x63: {  	_ =	shalt  }
0x64: {  	_ =	shalt  }
0x65: {  	_ =	shalt  }
0x66: {  	_ =	shalt  }
0x67: {  	_ =	shalt  }
0x68: {  	_ =	shalt  }
0x69: {  	_ =	shalt  }
0x6a: {  	_ =	shalt  }
0x6b: {  	_ =	shalt  }
0x6c: {  	_ =	shalt  }
0x6d: {  	_ =	shalt  }
0x6e: {  	_ =	shalt  }
0x6f: {  	_ =	shalt  }
0x70: {  	_ =	shalt  }
0x71: {  	_ =	shalt  }
0x72: {  	_ =	shalt  }
0x73: {  	_ =	shalt  }
0x74: {  	_ =	shalt  }
0x75: {  	_ =	shalt  }
0x76: {  	_ =	shalt  }
0x77: {  	_ =	shalt  }
0x78: {  	_ =	shalt  }
0x79: {  	_ =	shalt  }
0x7a: {  	_ =	shalt  }
0x7b: {  	_ =	shalt  }
0x7c: {  	_ =	shalt  }
0x7d: {  	_ =	shalt  }
0x7e: {  	_ =	shalt  }
0x7f: {  	_ =	shalt  }
0x80: {  	_ =	shalt  }
0x81: {  	_ =	shalt  }
0x82: {  	_ =	shalt  }
0x83: {  	_ =	shalt  }
0x84: {  	_ =	shalt  }
0x85: {  	_ =	shalt  }
0x86: {  	_ =	shalt  }
0x87: {  	_ =	shalt  }
.Lfunc_end0:
.L_simem_size_0:
called_computation_lowered:
.L_overlay_start_0:
0x88: {  	s2 =	sld [smem:$0x3FD9]  }
0x89: {  	s3 =	sld [smem:$0x3FFE];
	_ =	sdelay $0x1  }
0x8a: {  	s1 =	srdreg.scid  }
0x8b: {  	s0 =	sand.u32 $0x1, s1  }
0x8c: {  	s14 =	sshll.u32 s0, $0xA;
	s2 =	sadd.s32 s3, s2  }
0x8d: {  	s2 =	sadd.s32 s2, s14  }
0x8e: {  	[smem:$0x3FBB] =	sst s2  }
0x8f: {  	_ = 	snop  }
0x90: {  	s2 =	sld [smem:$0x3FD0];
	_ =	sdelay $0x2  }
0x91: {  	s15 =	simm.s32 $0xA;
	s4 =	simm.s32 $0x10  }
0x92: {  	[smem:s4], [sflag:s15] =	dma.local [hbm:s2], $0x1  }
0x93: {  	_ =	swait.eq [sflag:s15], $0x1  }
0x94: {  	[sflag:s15] =	ssyncset.done $0x0  }
0x95: {  	[sflag:s15] =	ssyncadd.s32 $0xFFFFFFFF  }
0x96: {  	s16 =	sld [smem:$0x10];
	(tm) =	ssettm $0x1  }
0x97: {  	s17 =	sld [smem:$0x3FFB];
	_ =	sdelay $0x3  }
0x98: {  	_ =	strace s17  }
0x99: {  	s3 =	sld [smem:$0x3FFC];
	_ =	sdelay $0x3  }
0x9a: {  	_ =	strace s3  }
0x9b: {  	s3 =	sld [smem:$0x3FFD];
	_ =	sdelay $0x3  }
0x9c: {  	_ =	strace s3  }
0x9d: {  	_ =	strace $0x8FFFFFFF  }
0x9e: {  	s18 =	sld [smem:$0x3FDB];
	_ =	sdelay $0x1  }
0x9f: {  	s19 =	simm.s32 $_scs_section_size  }
0xa0: {  	s5 =	simm.s32 $_size__tile_overlayer_lowered;
	s6 =	simm.s32 $_tile_overlayer_lowered  }
0xa1: {  	s22 =	simm.s32 $0x1BFF;
	s21 =	sshll.u32 s6, $0x1;
	s3 =	sadd.s32 s19, s18  }
0xa2: {  	s7 =	simm.s32 $0x0;
	s20 =	sshll.u32 s5, $0x1;
	s5 =	sadd.s32 s21, s3  }
0xa3: {  	[timem:s7], [sflag:s22] =	dma.local [hbm:s5], s20  }
0xa4: {  	_ =	swait.ge [sflag:s22], s20  }
0xa5: {  	s4 =	ssub.s32 $0x0, s20;
	[sflag:s22] =	ssyncset.done $0x0  }
0xa6: {  	[sflag:s22] =	ssyncadd.s32 s4;
	_ =	sdelay $0x1  }
0xa7: {  	s23 =	simm.s32 $0x1B8B  }
0xa8: {  	_ =	swait.ge [sflag:s23], $0x1  }
0xa9: {  	[sflag:s23] =	ssyncset.done $0x0  }
0xaa: {  	s25 =	simm.s32 $0x1B8E;
	s24 =	sld [smem:$0x3FFE];
	[sflag:s23] =	ssyncadd.s32 $0xFFFFFFFF  }
0xab: {  	s26 =	simm.s32 $execute0_lowered;
	[smem:$0x3FD2] =	sst s25  }
0xac: {  	s5 =	sshll.u32 s26, $0x1;
	_ =	strace $0x80000046;
	[dreg:$0x1] =	wrdreg $0xFFFFFFFF  }
0xad: {  	s28 =	simm.s32 $_size_execute0_lowered;
	s3 =	sadd.s32 s3, s5;
	[dreg:$0x0] =	wrdreg $0x0  }
0xae: {  	s5 =	sshll.u32 s28, $0x1;
	[dreg:$0x2] =	wrdreg s3  }
0xaf: {  	[dreg:$0x3] =	wrdreg s5  }
0xb0: {  	[dreg:$0x4] =	wrdreg $0xC0  }
0xb1: {  	_ =	task [dreg:s7], $0x5FFFF  }
0xb2: {  	[dreg:$0x1] =	wrdreg $0xFFFFFFFF  }
0xb3: {  	[dreg:$0x0] =	wrdreg $0x60  }
0xb4: {  	[dreg:$0x2] =	wrdreg s16  }
0xb5: {  	[dreg:$0x3] =	wrdreg s24  }
0xb6: {  	[dreg:$0x4] =	wrdreg $0xA8000  }
0xb7: {  	[dreg:$0x5] =	wrdreg $0x9  }
0xb8: {  	_ =	task.clear_ibuf [dreg:s7], $0x6FFFF;
	_ =	strace $0x90000046  }
0xb9: {  	s29 =	simm.s32 $0x9;
	_ =	strace $0x80000048  }
0xba: {  	_ =	swait.ge [sflag:s29], $0x1  }
0xbb: {  	[sflag:s29] =	ssyncadd.s32 $0xFFFFFFFF  }
0xbc: {  	_ =	strace $0x90000048  }
0xbd: {  	_ =	sfence  }
0xbe: {  	s30 =	sld [smem:$0x0];
	_ =	sdelay $0x2  }
0xbf: {  	s31 =	sshll.u32 s1, $0xD;
	s1 =	sshrl.u32 s1, $0x2  }
0xc0: {  	s3 =	sand.u32 $0x4000, s31;
	s1 =	sadd.s32 s1, s30  }
0xc1: {  	s0 =	sor.u32 s3, s0;
	s1 =	sshll.u32 s1, $0x11  }
0xc2: {  	s0 =	sor.u32 s1, s0  }
0xc3: {  	s0 =	sadd.s32 $0x8F2B, s0  }
0xc4: {  	[sflag:s0] =	ssyncadd.remote.s32 $0x1  }
0xc5: {  	_ =	sfence.sel $0xFFFF  }
0xc6: {  	[dreg:$0x0] =	wrdreg $0xFFFFFFFF;
	(pc) =	sbr.abs _section_cstart, $3  }
0xc7: {  	[dreg:$0x1] =	wrdreg $0xFFFFFFFF  }
0xc8: {  	_ =	task.clear_ibuf [dreg:s7], $0x2FFFF;
	_ =	strace $0x9FFFFFFF  }
0xc9: {  	(tm) =	ssettm $0x7FFFFFFF  }
tec
execute0_lowered:
.L_overlay_start_1:
0x0: {  	(tag) =	ssettag $0x1  }
0x1: {  	s1 =	rddreg [dreg:$0x0]  }
0x2: {  	s5 =	rddreg [dreg:$0x1]  }
0x3: {  	s3 =	rddreg [dreg:$0x2]  }
0x4: {  	s0 =	rddreg [dreg:$0x3];
	s4 =	simm.s32 $0x0;
	s2 =	stileid.u32  }
0x5: {  	s6 =	srdreg.scid;
	s16 =	simm.s32 $0x80;
	s17 =	simm.s32 $0x2  }
0x6: {  	s18 =	simm.s32 $0x2780;
	s19 =	simm.s32 $0x6800;
	s7 =	smul.u32 $0x14000, s2  }
0x7: {  	s20 =	simm.s32 $0x1;
	s21 =	simm.s32 $0x0;
	s11 =	smul.u32 $0x50000, s2  }
0x8: {  	[smem:$0x7FF] =	sst s4;
	s6 =	sand.u32 $0x1, s6;
	s13 =	smul.u32 $0x2800, s2  }
0x9: {  	s9 =	sadd.s32 $0x2600, s5;
	s10 =	sadd.s32 $0xC600, s5;
	s8 =	smul.u32 $0x140000, s6  }
0xa: {  	s30 =	sshll.u32 s2, $0x6;
	s24 =	smul.u32 $0x28000, s6;
	s6 =	ssub.s32 $0x2, s6  }
0xb: {  	_ =	strace $0x80000047;
	s12 =	sshrl.u32 s7, $0x3;
	s25 =	sshrl.u32 s6, $0x1  }
0xc: {  	s26 =	sshrl.u32 s11, $0x2;
	s7 =	sadd.s32 s7, s8;
	s12 =	sadd.s32 s12, s5  }
0xd: {  	s15 =	ssub.s32 s6, s25;
	s28 =	sadd.s32 s13, s24;
	s29 =	sadd.s32 s26, s3  }
0xe: {  	s6 =	sor.u32 $0x1C03, s30;
	s7 =	sshrl.u32 s7, $0x3;
	s8 =	sshrl.u32 s28, $0x3  }
0xf: {  	s13 =	sshrl.u32 s29, $0x3;
	s14 =	sadd.s32 s7, s5;
	s5 =	sadd.s32 $0x16600, s12  }
0x10: {  	s31 =	sadd.s32 $0x280, s8;
	s7 =	sadd.s32 s9, s8;
	s8 =	sadd.s32 s10, s8  }
0x11: {  	s12 =	smax.u32 s15, $0x1;
	s15 =	simm.s32 $0x2800;
	s9 =	sadd.s32 s9, s31  }
0x12: {  	s10 =	sadd.s32 s10, s31;
	s11 =	sadd.s32 $0x3E600, s14;
	s14 =	simm.s32 $0x3  }
.LBB2_1:
0x13: {  	[spmem:s13], [sflag:s6] =	dma.local [hbm:s5], $0x2800  }
0x14: {  	_ =	swait.ge [sflag:s14], $0x2800  }
0x15: {  	[sflag:s14] =	ssyncset.done $0x0  }
0x16: {  	[sflag:s14] =	ssyncadd.s32 $0xFFFFD800  }
0x17: {  	[bflag:$0x0] =	sbarrier.arrive $0xFFFF  }
0x18: {  	[bflag:$0x0] =	sbarrier.arrive $0xFFFF  }
0x19: {  	[tilespmem:s4], [sflag:$0x3] =	stream.linear.gather [hbm4b:s7+s4], $0x1400, $0x38;
	[tilespmem:$0x1E800] =	vst v63  }
0x1a: {  	_ =	swait.ge [sflag:s14], $0x1400  }
0x1b: {  	[sflag:s14] =	ssyncset.done $0x0  }
0x1c: {  	s22 =	simm.s32 $0x1400;
	[sflag:s14] =	ssyncadd.s32 $0xFFFFEC00  }
0x1d: {  	[tilespmem:s22], [sflag:$0x3] =	stream.linear.gather [hbm4b:s8+s4], $0x1400, $0x38;
	[tilespmem:$0x1E800] =	vst v63  }
0x1e: {  	s23 =	sand.u32 $0x1, s4;
	_ =	swait.ge [sflag:s14], $0x1400  }
0x1f: {  	s24 =	sxor.u32 $0x1, s23;
	[sflag:s14] =	ssyncset.done $0x0  }
0x20: {  	s25 =	sshll.u32 s24, $0xE;
	[sflag:s14] =	ssyncadd.s32 $0xFFFFEC00  }
0x21: {  	[tilespmem:s15], [sflag:$0x1] =	stream.indirect.gather [hbm4b:s1+s16], $0x80, s4, s16, $0xb8;
	[tilespmem:$0x1E800] =	vst v63  }
0x22: {  	s28 =	sadd.s32 $0x1, s23;
	s24 =	sadd.s32 $0x1, s24;
	s25 =	sor.u32 $0x2800, s25  }
0x23: {  	[tilespmem:s25], [sflag:s24] =	stream.indirect.gather [hbm4b:s1+s16], $0x80, s16, s16, $0xb8;
	[tilespmem:$0x1E800] =	vst v63  }
0x24: {  	s30 =	simm.s32 $0x1;
	_ =	swait.ge [sflag:s28], $0x4000  }
0x25: {  	s26 =	simm.s32 $0x2;
	s23 =	sshll.u32 s23, $0xE;
	[sflag:s28] =	ssyncset.done $0x0  }
0x26: {  	s31 =	sor.u32 $0x2800, s23;
	s25 =	sand.u32 $0x1, s30;
	[sflag:s28] =	ssyncadd.s32 $0xFFFFC000  }
0x27: {  	[spmem:s3] =	stream.indirect.scatter.add.f32 [tilespmem:s31], [sflag:$0x3], $0x80, s22, s16, $0xb8;
	[tilespmem:$0x1E800] =	vst v63  }
0x28: {  	s23 =	simm.s32 $0x100;
	s24 =	sshll.u32 s25, $0xE;
	_ =	swait.ge [sflag:s14], $0x4000  }
0x29: {  	s28 =	sxor.u32 $0x1, s25;
	s22 =	simm.s32 $0x1480;
	[sflag:s14] =	ssyncset.done $0x0  }
.LBB2_2:
0x2a: {  	s29 =	sshll.u32 s28, $0xE  }
0x2b: {  	[sflag:s14] =	ssyncadd.s32 $0xFFFFC000;
	s30 =	smov.u32 s26;
	s31 =	sadd.s32 $0x1, s26  }
0x2c: {  	s28 =	sadd.s32 $0x1, s28;
	s25 =	sadd.s32 $0x1, s25;
	s29 =	sor.u32 $0x2800, s29  }
0x2d: {  	[tilespmem:s29], [sflag:s28] =	stream.indirect.gather [hbm4b:s1+s16], $0x80, s23, s16, $0xb8;
	[tilespmem:$0x1E800] =	vst v63  }
0x2e: {  	p0 =	sne.s32 s26, $0x26;
	_ =	swait.ge [sflag:s25], $0x4000  }
.Ltmp0:
0x2f: {  	s24 =	sor.u32 $0x2800, s24;
	[sflag:s25] =	ssyncset.done $0x0;
	(pc) =	sbr.rel @p0 .LBB2_2-.Ltmp0, $4  }
0x30: {  	s26 =	smov.u32 s31;
	s23 =	sadd.s32 $0x80, s23;
	[sflag:s25] =	ssyncadd.s32 $0xFFFFC000  }
0x31: {  	[spmem:s3] =	stream.indirect.scatter.add.f32 [tilespmem:s24], [sflag:$0x3], $0x80, s22, s16, $0xb8;
	[tilespmem:$0x1E800] =	vst v63  }
0x32: {  	s25 =	sand.u32 $0x1, s30;
	s22 =	sadd.s32 $0x80, s22;
	_ =	swait.ge [sflag:s14], $0x4000  }
0x33: {  	s28 =	sxor.u32 $0x1, s25;
	s24 =	sshll.u32 s25, $0xE;
	[sflag:s14] =	ssyncset.done $0x0  }
0x34: {  	s26 =	sshll.u32 s28, $0xE;
	[sflag:s14] =	ssyncadd.s32 $0xFFFFC000  }
0x35: {  	s28 =	sadd.s32 $0x1, s28;
	s25 =	sadd.s32 $0x1, s25;
	s26 =	sor.u32 $0x2800, s26  }
0x36: {  	[tilespmem:s26], [sflag:s28] =	stream.indirect.gather [hbm4b:s1+s16], $0x80, s23, s16, $0xb8;
	[tilespmem:$0x1E800] =	vst v63  }
0x37: {  	_ =	swait.ge [sflag:s25], $0x4000  }
0x38: {  	[sflag:s25] =	ssyncset.done $0x0  }
0x39: {  	s29 =	sor.u32 $0x2800, s24;
	[sflag:s25] =	ssyncadd.s32 $0xFFFFC000  }
0x3a: {  	[spmem:s3] =	stream.indirect.scatter.add.f32 [tilespmem:s29], [sflag:$0x3], $0x80, s22, s16, $0xb8;
	[tilespmem:$0x1E800] =	vst v63  }
0x3b: {  	_ =	swait.ge [sflag:s14], $0x4000  }
0x3c: {  	[sflag:s14] =	ssyncset.done $0x0  }
0x3d: {  	s30 =	simm.s32 $0x0;
	s22 =	simm.s32 $0x80;
	[sflag:s14] =	ssyncadd.s32 $0xFFFFC000  }
0x3e: {  	[tilespmem:s15], [sflag:$0x1] =	stream.indirect.gather [hbm4b:s1+s22], $0x80, s30, s22, $0xb8;
	[tilespmem:$0x1E800] =	vst v63  }
0x3f: {  	_ =	swait.ge [sflag:s17], $0x4000  }
0x40: {  	[sflag:s17] =	ssyncset.done $0x0  }
0x41: {  	[sflag:s17] =	ssyncadd.s32 $0xFFFFC000  }
0x42: {  	[spmem:s3] =	stream.indirect.scatter.add.f32 [tilespmem:s19], [sflag:$0x3], $0x80, s18, s22, $0xb8;
	[tilespmem:$0x1E800] =	vst v63  }
0x43: {  	_ =	swait.ge [sflag:s14], $0x4000  }
0x44: {  	[sflag:s14] =	ssyncset.done $0x0  }
0x45: {  	[sflag:s14] =	ssyncadd.s32 $0xFFFFC000  }
0x46: {  	_ =	swait.ge [sflag:s20], $0x4000  }
0x47: {  	[sflag:s20] =	ssyncset.done $0x0  }
0x48: {  	[sflag:s20] =	ssyncadd.s32 $0xFFFFC000  }
0x49: {  	[tilespmem:s30], [sflag:$0x3] =	stream.linear.gather [hbm4b:s9+s30], $0x1400, $0x38;
	[tilespmem:$0x1E800] =	vst v63  }
0x4a: {  	_ =	swait.ge [sflag:s14], $0x1400  }
0x4b: {  	[sflag:s14] =	ssyncset.done $0x0  }
0x4c: {  	s24 =	simm.s32 $0x1400;
	[sflag:s14] =	ssyncadd.s32 $0xFFFFEC00  }
0x4d: {  	[tilespmem:s24], [sflag:$0x3] =	stream.linear.gather [hbm4b:s10+s30], $0x1400, $0x38;
	[tilespmem:$0x1E800] =	vst v63  }
0x4e: {  	s23 =	sand.u32 $0x1, s30;
	_ =	swait.ge [sflag:s14], $0x1400  }
0x4f: {  	s31 =	sxor.u32 $0x1, s23;
	[sflag:s14] =	ssyncset.done $0x0  }
0x50: {  	s29 =	sshll.u32 s31, $0xE;
	[sflag:s14] =	ssyncadd.s32 $0xFFFFEC00  }
0x51: {  	[tilespmem:s15], [sflag:$0x1] =	stream.indirect.gather [hbm4b:s1+s22], $0x80, s30, s22, $0xb8;
	[tilespmem:$0x1E800] =	vst v63  }
0x52: {  	s28 =	sadd.s32 $0x1, s23;
	s25 =	sadd.s32 $0x1, s31;
	s26 =	sor.u32 $0x2800, s29  }
0x53: {  	[tilespmem:s26], [sflag:s25] =	stream.indirect.gather [hbm4b:s1+s16], $0x80, s22, s16, $0xb8;
	[tilespmem:$0x1E800] =	vst v63  }
0x54: {  	s23 =	sshll.u32 s23, $0xE;
	_ =	swait.ge [sflag:s28], $0x4000  }
0x55: {  	s31 =	sor.u32 $0x2800, s23;
	s23 =	simm.s32 $0x100;
	[sflag:s28] =	ssyncset.done $0x0  }
0x56: {  	s30 =	simm.s32 $0x1;
	s26 =	simm.s32 $0x2;
	[sflag:s28] =	ssyncadd.s32 $0xFFFFC000  }
0x57: {  	[spmem:s3] =	stream.indirect.scatter.add.f32 [tilespmem:s31], [sflag:$0x3], $0x80, s24, s16, $0xb8;
	[tilespmem:$0x1E800] =	vst v63  }
0x58: {  	s25 =	sand.u32 $0x1, s30;
	s22 =	simm.s32 $0x1480;
	_ =	swait.ge [sflag:s14], $0x4000  }
0x59: {  	s28 =	sxor.u32 $0x1, s25;
	s24 =	sshll.u32 s25, $0xE;
	[sflag:s14] =	ssyncset.done $0x0  }
.LBB2_4:
0x5a: {  	s29 =	sshll.u32 s28, $0xE  }
0x5b: {  	[sflag:s14] =	ssyncadd.s32 $0xFFFFC000;
	s30 =	smov.u32 s26;
	s31 =	sadd.s32 $0x1, s26  }
0x5c: {  	s28 =	sadd.s32 $0x1, s28;
	s25 =	sadd.s32 $0x1, s25;
	s29 =	sor.u32 $0x2800, s29  }
0x5d: {  	[tilespmem:s29], [sflag:s28] =	stream.indirect.gather [hbm4b:s1+s16], $0x80, s23, s16, $0xb8;
	[tilespmem:$0x1E800] =	vst v63  }
0x5e: {  	p0 =	sne.s32 s26, $0x26;
	_ =	swait.ge [sflag:s25], $0x4000  }
.Ltmp1:
0x5f: {  	s24 =	sor.u32 $0x2800, s24;
	[sflag:s25] =	ssyncset.done $0x0;
	(pc) =	sbr.rel @p0 .LBB2_4-.Ltmp1, $4  }
0x60: {  	s26 =	smov.u32 s31;
	s23 =	sadd.s32 $0x80, s23;
	[sflag:s25] =	ssyncadd.s32 $0xFFFFC000  }
0x61: {  	[spmem:s3] =	stream.indirect.scatter.add.f32 [tilespmem:s24], [sflag:$0x3], $0x80, s22, s16, $0xb8;
	[tilespmem:$0x1E800] =	vst v63  }
0x62: {  	s25 =	sand.u32 $0x1, s30;
	s22 =	sadd.s32 $0x80, s22;
	_ =	swait.ge [sflag:s14], $0x4000  }
0x63: {  	s28 =	sxor.u32 $0x1, s25;
	s24 =	sshll.u32 s25, $0xE;
	[sflag:s14] =	ssyncset.done $0x0  }
0x64: {  	s26 =	sshll.u32 s28, $0xE;
	[sflag:s14] =	ssyncadd.s32 $0xFFFFC000  }
0x65: {  	s30 =	sadd.s32 $0x1, s28;
	s25 =	sadd.s32 $0x1, s25;
	s26 =	sor.u32 $0x2800, s26  }
0x66: {  	[tilespmem:s26], [sflag:s30] =	stream.indirect.gather [hbm4b:s1+s16], $0x80, s23, s16, $0xb8;
	[tilespmem:$0x1E800] =	vst v63  }
0x67: {  	_ =	swait.ge [sflag:s25], $0x4000  }
0x68: {  	[sflag:s25] =	ssyncset.done $0x0  }
0x69: {  	s31 =	sor.u32 $0x2800, s24;
	[sflag:s25] =	ssyncadd.s32 $0xFFFFC000  }
0x6a: {  	[spmem:s3] =	stream.indirect.scatter.add.f32 [tilespmem:s31], [sflag:$0x3], $0x80, s22, s16, $0xb8;
	[tilespmem:$0x1E800] =	vst v63  }
0x6b: {  	_ =	swait.ge [sflag:s14], $0x4000  }
0x6c: {  	[sflag:s14] =	ssyncset.done $0x0  }
0x6d: {  	[sflag:s14] =	ssyncadd.s32 $0xFFFFC000  }
0x6e: {  	[tilespmem:s15], [sflag:$0x1] =	stream.indirect.gather [hbm4b:s1+s16], $0x80, s4, s16, $0xb8;
	[tilespmem:$0x1E800] =	vst v63  }
0x6f: {  	_ =	swait.ge [sflag:s17], $0x4000  }
0x70: {  	[sflag:s17] =	ssyncset.done $0x0  }
0x71: {  	[sflag:s17] =	ssyncadd.s32 $0xFFFFC000  }
0x72: {  	[spmem:s3] =	stream.indirect.scatter.add.f32 [tilespmem:s19], [sflag:$0x3], $0x80, s18, s16, $0xb8;
	[tilespmem:$0x1E800] =	vst v63  }
0x73: {  	_ =	swait.ge [sflag:s14], $0x4000  }
0x74: {  	[sflag:s14] =	ssyncset.done $0x0  }
0x75: {  	[sflag:s14] =	ssyncadd.s32 $0xFFFFC000  }
0x76: {  	_ =	swait.ge [sflag:s20], $0x4000  }
0x77: {  	s21 =	sadd.s32 $0x1, s21;
	[sflag:s20] =	ssyncset.done $0x0  }
0x78: {  	p0 =	sne.s32 s21, s12;
	[sflag:s20] =	ssyncadd.s32 $0xFFFFC000  }
.Ltmp2:
0x79: {  	[bflag:$0x0] =	sbarrier.arrive $0xFFFF;
	(pc) =	sbr.rel @p0 .LBB2_1-.Ltmp2, $4  }
0x7a: {  	[hbm:s11], [sflag:s6] =	dma.local [spmem:s13], $0x2800  }
0x7b: {  	_ =	swait.ge [sflag:s14], $0x2800  }
0x7c: {  	[sflag:s14] =	ssyncset.done $0x0  }
0x7d: {  	[sflag:s14] =	ssyncadd.s32 $0xFFFFD800  }
0x7e: {  	_ =	sfence.sel $0x180000  }
0x7f: {  	[bflag:$0x0] =	sbarrier.arrive $0xFFFF  }
0x80: {  	p0 =	sne.s32 s2, $0x0;
	_ =	strace $0x90000047  }
0x81: {  	s0 =	sadd.s32 @!p0 $0x100000, s0;
	[bflag:$0x2] =	sbarrier.arrive $0xFFFF  }
0x82: {  	[sflag:s0] =	ssyncadd.tile.s32 @!p0 $0x1;
	_ =	shalt  }
.Lfunc_end2:
_tile_overlayer_lowered:
.L_overlay_start_2:
0x83: {  	(tag) =	ssettag $0x2  }
0x84: {  	s0 =	rddreg [dreg:$0x0];
	s2 =	stileid.u32  }
0x85: {  	s1 =	rddreg [dreg:$0x1];
	p0 =	sne.s32 s2, $0x0  }
0x86: {  	s3 =	rddreg [dreg:$0x2];
	[bflag:$0x3] =	sbarrier.arrive $0xFFFF;
	s2 =	simm.s32 @!p0 $0x1C03  }
0x87: {  	[timem:s3], [sflag:s2] =	dma.local @!p0 [hbm:s0], s1  }
0x88: {  	s0 =	simm.s32 @!p0 $0x3  }
0x89: {  	_ =	swait.ge @!p0 [sflag:s0], s1  }
0x8a: {  	s1 =	ssub.s32 @!p0 $0x0, s1;
	[sflag:s0] =	ssyncset.done @!p0 $0x0  }
0x8b: {  	[sflag:s0] =	ssyncadd.s32 @!p0 s1  }
0x8c: {  	[bflag:$0x3] =	sbarrier.arrive $0xFFFF  }
0x8d: {  	_ =	shalt  }

</sc_bundles>
